<compile_context>
chip_gen: v7x
topology: tpu7x:2x2x1
jax: 0.10.2.dev20260603
libtpu: 0.0.44.dev20260713+nightly
codegen_flags: <defaults>
</compile_context>

<pallas_src>
import functools

import jax
import jax.numpy as jnp
from jax import lax
from jax.experimental import pallas as pl
from jax.experimental.pallas import tpu as pltpu
from jax.experimental.pallas import tpu_sc as plsc

_NC, _NS = 2, 16
_NW = _NC * _NS


@functools.cache
def _build(B, L, K, V, D):
    R = B * (2 + K)
    CROWS = 5
    CL = CROWS * L
    RPW = R // _NW
    CHUNKS = RPW // CROWS
    assert R % _NW == 0 and RPW % CROWS == 0
    scale = 1.0 / L

    mesh = plsc.VectorSubcoreMesh(core_axis_name="c", subcore_axis_name="s")

    @functools.partial(
        pl.kernel,
        out_type=jax.ShapeDtypeStruct((_NW, RPW, D), jnp.float32),
        mesh=mesh,
        compiler_params=pltpu.CompilerParams(use_tc_tiling_on_sc=False),
        scratch_types=[
            pltpu.VMEM((CHUNKS, CL), jnp.int32),
            pltpu.VMEM((RPW, D), jnp.float32),
            pltpu.VMEM((CL, D), jnp.float32),
            pltpu.SemaphoreType.DMA,
        ],
    )
    def k(table_hbm, idx_hbm, out_hbm, idx_v, out_v, rows_v, sem):
        wid = lax.axis_index("s") * _NC + lax.axis_index("c")
        pltpu.sync_copy(idx_hbm.at[wid], idx_v)

        def body(g, _):
            pltpu.async_copy(table_hbm.at[idx_v.at[g]], rows_v, sem).wait()
            for c in range(CROWS):
                acc = rows_v[c * L]
                for t in range(1, L):
                    acc = acc + rows_v[c * L + t]
                out_v[g * CROWS + c] = acc * scale
            return _

        lax.fori_loop(0, CHUNKS, body, 0)
        pltpu.sync_copy(out_v, out_hbm.at[wid])

    return k, CHUNKS, CL


def kernel(a_tokens, b_tokens, neg_tokens, table):
    B, L = a_tokens.shape
    K = neg_tokens.shape[1]
    V, D = table.shape
    k, CHUNKS, CL = _build(B, L, K, V, D)

    tokens = jnp.concatenate(
        [a_tokens[:, None, :], b_tokens[:, None, :], neg_tokens], axis=1
    ).astype(jnp.int32)
    idx = tokens.reshape(_NW, CHUNKS, CL)

    out = k(table, idx)
    out = out.reshape(B, 2 + K, D)
    return (out[:, 0:1, :], out[:, 1:2, :], out[:, 2:, :])

# --- scband reference (transcript-rebuilt; emitter-appended) ---
"""Pipeline reference for scband-star-space-adv-49366354100233 (READ-ONLY COPY).

The authoritative reference and input builder live on the scoring server;
editing this copy changes nothing except your own understanding.
"""

import jax, jax.numpy as jnp
import numpy as np

VOCAB = 1000000
DIM = 16
B = 16384
L = 20
K_NEG = 3


def setup_inputs(seed: int = 0) -> dict:
    key = jax.random.key(seed)
    k1, k2, k3, k4 = jax.random.split(key, 4)
    a_tokens = jax.random.randint(k1, (B, L), 0, VOCAB)
    b_tokens = jax.random.randint(k2, (B, L), 0, VOCAB)
    neg_tokens = jax.random.randint(k3, (B, K_NEG, L), 0, VOCAB)
    table = jax.random.normal(k4, (VOCAB, DIM), dtype=jnp.float32) * 0.01
    return {"a_tokens": a_tokens, "b_tokens": b_tokens, "neg_tokens": neg_tokens, "table": table}


def _embed_doc(table, tokens):
    # StarSpace-style bag-of-words doc embedding: mean of token embeddings.
    # tokens: int[..., L] -> float[..., DIM]
    return jnp.take(table, tokens, axis=0).mean(axis=-2)


def reference(a_tokens, b_tokens, neg_tokens, table):
    # Tensorized StarSpaceAdv.forward: the original Python loop samples, per
    # batch element, an anchor doc a, a positive doc b, and k_neg negative
    # docs, embeds each with embedder.embed_doc, then stacks:
    #   l_batch: [B, 1, D], r_batch: [B, 1, D], neg_batch: [B, k_neg, D]
    # Here the sampling is pre-materialized into token index tensors.
    l_batch = _embed_doc(table, a_tokens)[:, None, :]
    r_batch = _embed_doc(table, b_tokens)[:, None, :]
    neg_batch = _embed_doc(table, neg_tokens)
    return (l_batch, r_batch, neg_batch)

if __name__ == "__main__":
    import jax
    _d = setup_inputs()
    print(jax.jit(kernel)(*tuple(_d.values())))

</pallas_src>

<mosaic_0001>
#map = affine_map<(d0, d1) -> (0, 0)>
#map1 = affine_map<(d0, d1) -> (0, 0, 0)>
module attributes {stable_mosaic.version = 14 : i64} {
  func.func @k(%arg0: i32, %arg1: i32, %arg2: memref<1000000x16xf32, #tpu.memory_space<hbm>>, %arg3: memref<32x512x100xi32, #tpu.memory_space<hbm>>, %arg4: memref<32x2560x16xf32, #tpu.memory_space<hbm>>, %arg5: memref<512x100xi32, #tpu.memory_space<vmem>>, %arg6: memref<2560x16xf32, #tpu.memory_space<vmem>>, %arg7: memref<100x16xf32, #tpu.memory_space<vmem>>, %arg8: memref<!tpu.dma_semaphore, #tpu.memory_space<semaphore_mem>>) attributes {dimension_semantics = [#tpu.dimension_semantics<core_parallel>, #tpu.dimension_semantics<subcore_parallel>], iteration_bounds = array<i64: 2, 16>, scalar_prefetch = 0 : i64, scratch_operands = 4 : i64, tpu.core_type = #tpu.core_type<sc_vector_subcore>, window_params = [{transform_indices = #map}, {transform_indices = #map1}, {transform_indices = #map1}]} {
    %mul3A = arith.constant 2 : i32
    %mul3A_0 = arith.muli %arg1, %mul3A : i32
    %add3A = arith.addi %mul3A_0, %arg0 : i32
    "tpu.region"() ({
      %run_scoped3A = tpu.sem_alloc : memref<!tpu.dma_semaphore, #tpu.memory_space<semaphore_mem>>
      %dma_start3A = arith.constant 0 : i32
      %dma_start3A_6 = arith.constant 0 : i32
      %dma_start3A_7 = tpu.memref_slice %arg3[%add3A, %dma_start3A, %dma_start3A_6] : memref<32x512x100xi32, #tpu.memory_space<hbm>> -> memref<1x512x100xi32, #tpu.memory_space<hbm>>
      %dma_start3A_8 = tpu.memref_squeeze %dma_start3A_7 : memref<1x512x100xi32, #tpu.memory_space<hbm>> -> memref<512x100xi32, #tpu.memory_space<hbm>>
      %dma_start3A_9 = arith.constant 0 : i32
      %dma_start3A_10 = arith.constant 0 : i32
      %dma_start3A_11 = tpu.memref_slice %arg3[%add3A, %dma_start3A_9, %dma_start3A_10] : memref<32x512x100xi32, #tpu.memory_space<hbm>> -> memref<1x512x100xi32, #tpu.memory_space<hbm>>
      %dma_start3A_12 = tpu.memref_squeeze %dma_start3A_11 : memref<1x512x100xi32, #tpu.memory_space<hbm>> -> memref<512x100xi32, #tpu.memory_space<hbm>>
      tpu.enqueue_dma source(%dma_start3A_12 : memref<512x100xi32, #tpu.memory_space<hbm>>) target(%arg5 : memref<512x100xi32, #tpu.memory_space<vmem>>) target_semaphore(%run_scoped3A : memref<!tpu.dma_semaphore, #tpu.memory_space<semaphore_mem>>)
      %dma_wait3A = arith.constant 0 : i32
      %dma_wait3A_13 = arith.constant 0 : i32
      %dma_wait3A_14 = tpu.memref_slice %arg3[%add3A, %dma_wait3A, %dma_wait3A_13] : memref<32x512x100xi32, #tpu.memory_space<hbm>> -> memref<1x512x100xi32, #tpu.memory_space<hbm>>
      %dma_wait3A_15 = tpu.memref_squeeze %dma_wait3A_14 : memref<1x512x100xi32, #tpu.memory_space<hbm>> -> memref<512x100xi32, #tpu.memory_space<hbm>>
      %dma_wait3A_16 = arith.constant 0 : i32
      %dma_wait3A_17 = arith.constant 0 : i32
      %dma_wait3A_18 = tpu.memref_slice %arg3[%add3A, %dma_wait3A_16, %dma_wait3A_17] : memref<32x512x100xi32, #tpu.memory_space<hbm>> -> memref<1x512x100xi32, #tpu.memory_space<hbm>>
      %dma_wait3A_19 = tpu.memref_squeeze %dma_wait3A_18 : memref<1x512x100xi32, #tpu.memory_space<hbm>> -> memref<512x100xi32, #tpu.memory_space<hbm>>
      tpu.wait_dma2 semaphore(%run_scoped3A : memref<!tpu.dma_semaphore, #tpu.memory_space<semaphore_mem>>) src(%dma_wait3A_19 : memref<512x100xi32, #tpu.memory_space<hbm>>) dst(%arg5 : memref<512x100xi32, #tpu.memory_space<vmem>>)
      tpu.yield
    }) : () -> ()
    %scan3A = arith.constant 0 : i32
    %scan3A_1 = arith.constant 0 : i32
    %scan3A_2 = arith.constant 512 : i32
    %scan3A_3 = arith.addi %scan3A_1, %scan3A_2 : i32
    %scan3A_4 = arith.constant 1 : i32
    scf.for %scan3A_6 = %scan3A_1 to %scan3A_3 step %scan3A_4  : i32 {
      %dma_start3A = arith.constant 0 : i32
      %dma_start3A_7 = tpu.memref_slice %arg5[%scan3A_6, %dma_start3A] : memref<512x100xi32, #tpu.memory_space<vmem>> -> memref<1x100xi32, #tpu.memory_space<vmem>>
      %dma_start3A_8 = tpu.memref_squeeze %dma_start3A_7 : memref<1x100xi32, #tpu.memory_space<vmem>> -> memref<100xi32, #tpu.memory_space<vmem>>
      %dma_start3A_9 = arith.constant 0 : i32
      %dma_start3A_10 = arith.constant 0 : i32
      %dma_start3A_11 = tpu.memref_slice %arg2[%dma_start3A_9, %dma_start3A_10] : memref<1000000x16xf32, #tpu.memory_space<hbm>> -> memref<1000000x16xf32, #tpu.memory_space<hbm>>
      tpu.enqueue_indirect_dma source(%dma_start3A_11 : memref<1000000x16xf32, #tpu.memory_space<hbm>>) target(%arg7 : memref<100x16xf32, #tpu.memory_space<vmem>>) offsets(%dma_start3A_8 : memref<100xi32, #tpu.memory_space<vmem>>) semaphore(%arg8 : memref<!tpu.dma_semaphore, #tpu.memory_space<semaphore_mem>>)
      %dma_wait3A = arith.constant 0 : i32
      %dma_wait3A_12 = tpu.memref_slice %arg5[%scan3A_6, %dma_wait3A] : memref<512x100xi32, #tpu.memory_space<vmem>> -> memref<1x100xi32, #tpu.memory_space<vmem>>
      %dma_wait3A_13 = tpu.memref_squeeze %dma_wait3A_12 : memref<1x100xi32, #tpu.memory_space<vmem>> -> memref<100xi32, #tpu.memory_space<vmem>>
      %dma_wait3A_14 = arith.constant 0 : i32
      %dma_wait3A_15 = arith.constant 0 : i32
      %dma_wait3A_16 = tpu.memref_slice %arg2[%dma_wait3A_14, %dma_wait3A_15] : memref<1000000x16xf32, #tpu.memory_space<hbm>> -> memref<1000000x16xf32, #tpu.memory_space<hbm>>
      tpu.wait_indirect_dma semaphore(%arg8 : memref<!tpu.dma_semaphore, #tpu.memory_space<semaphore_mem>>) src(%dma_wait3A_16 : memref<1000000x16xf32, #tpu.memory_space<hbm>>) dst(%arg7 : memref<100x16xf32, #tpu.memory_space<vmem>>)
      %get3A = arith.constant 0 : i32
      %get3A_17 = arith.index_cast %get3A : i32 to index
      %get3A_18 = arith.constant 0 : index
      %get3A_19 = tpu.vector_load %arg7[%get3A_17, %get3A_18] {strides = array<i32>} : memref<100x16xf32, #tpu.memory_space<vmem>>, vector<1x16xf32>,
      %get3A_20 = vector.shape_cast %get3A_19 : vector<1x16xf32> to vector<16xf32>
      %get3A_21 = arith.constant 1 : i32
      %get3A_22 = arith.index_cast %get3A_21 : i32 to index
      %get3A_23 = arith.constant 0 : index
      %get3A_24 = tpu.vector_load %arg7[%get3A_22, %get3A_23] {strides = array<i32>} : memref<100x16xf32, #tpu.memory_space<vmem>>, vector<1x16xf32>,
      %get3A_25 = vector.shape_cast %get3A_24 : vector<1x16xf32> to vector<16xf32>
      %add3A_26 = arith.addf %get3A_20, %get3A_25 : vector<16xf32>
      %get3A_27 = arith.constant 2 : i32
      %get3A_28 = arith.index_cast %get3A_27 : i32 to index
      %get3A_29 = arith.constant 0 : index
      %get3A_30 = tpu.vector_load %arg7[%get3A_28, %get3A_29] {strides = array<i32>} : memref<100x16xf32, #tpu.memory_space<vmem>>, vector<1x16xf32>,
      %get3A_31 = vector.shape_cast %get3A_30 : vector<1x16xf32> to vector<16xf32>
      %add3A_32 = arith.addf %add3A_26, %get3A_31 : vector<16xf32>
      %get3A_33 = arith.constant 3 : i32
      %get3A_34 = arith.index_cast %get3A_33 : i32 to index
      %get3A_35 = arith.constant 0 : index
      %get3A_36 = tpu.vector_load %arg7[%get3A_34, %get3A_35] {strides = array<i32>} : memref<100x16xf32, #tpu.memory_space<vmem>>, vector<1x16xf32>,
      %get3A_37 = vector.shape_cast %get3A_36 : vector<1x16xf32> to vector<16xf32>
      %add3A_38 = arith.addf %add3A_32, %get3A_37 : vector<16xf32>
      %get3A_39 = arith.constant 4 : i32
      %get3A_40 = arith.index_cast %get3A_39 : i32 to index
      %get3A_41 = arith.constant 0 : index
      %get3A_42 = tpu.vector_load %arg7[%get3A_40, %get3A_41] {strides = array<i32>} : memref<100x16xf32, #tpu.memory_space<vmem>>, vector<1x16xf32>,
      %get3A_43 = vector.shape_cast %get3A_42 : vector<1x16xf32> to vector<16xf32>
      %add3A_44 = arith.addf %add3A_38, %get3A_43 : vector<16xf32>
      %get3A_45 = arith.constant 5 : i32
      %get3A_46 = arith.index_cast %get3A_45 : i32 to index
      %get3A_47 = arith.constant 0 : index
      %get3A_48 = tpu.vector_load %arg7[%get3A_46, %get3A_47] {strides = array<i32>} : memref<100x16xf32, #tpu.memory_space<vmem>>, vector<1x16xf32>,
      %get3A_49 = vector.shape_cast %get3A_48 : vector<1x16xf32> to vector<16xf32>
      %add3A_50 = arith.addf %add3A_44, %get3A_49 : vector<16xf32>
      %get3A_51 = arith.constant 6 : i32
      %get3A_52 = arith.index_cast %get3A_51 : i32 to index
      %get3A_53 = arith.constant 0 : index
      %get3A_54 = tpu.vector_load %arg7[%get3A_52, %get3A_53] {strides = array<i32>} : memref<100x16xf32, #tpu.memory_space<vmem>>, vector<1x16xf32>,
      %get3A_55 = vector.shape_cast %get3A_54 : vector<1x16xf32> to vector<16xf32>
      %add3A_56 = arith.addf %add3A_50, %get3A_55 : vector<16xf32>
      %get3A_57 = arith.constant 7 : i32
      %get3A_58 = arith.index_cast %get3A_57 : i32 to index
      %get3A_59 = arith.constant 0 : index
      %get3A_60 = tpu.vector_load %arg7[%get3A_58, %get3A_59] {strides = array<i32>} : memref<100x16xf32, #tpu.memory_space<vmem>>, vector<1x16xf32>,
      %get3A_61 = vector.shape_cast %get3A_60 : vector<1x16xf32> to vector<16xf32>
      %add3A_62 = arith.addf %add3A_56, %get3A_61 : vector<16xf32>
      %get3A_63 = arith.constant 8 : i32
      %get3A_64 = arith.index_cast %get3A_63 : i32 to index
      %get3A_65 = arith.constant 0 : index
      %get3A_66 = tpu.vector_load %arg7[%get3A_64, %get3A_65] {strides = array<i32>} : memref<100x16xf32, #tpu.memory_space<vmem>>, vector<1x16xf32>,
      %get3A_67 = vector.shape_cast %get3A_66 : vector<1x16xf32> to vector<16xf32>
      %add3A_68 = arith.addf %add3A_62, %get3A_67 : vector<16xf32>
      %get3A_69 = arith.constant 9 : i32
      %get3A_70 = arith.index_cast %get3A_69 : i32 to index
      %get3A_71 = arith.constant 0 : index
      %get3A_72 = tpu.vector_load %arg7[%get3A_70, %get3A_71] {strides = array<i32>} : memref<100x16xf32, #tpu.memory_space<vmem>>, vector<1x16xf32>,
      %get3A_73 = vector.shape_cast %get3A_72 : vector<1x16xf32> to vector<16xf32>
      %add3A_74 = arith.addf %add3A_68, %get3A_73 : vector<16xf32>
      %get3A_75 = arith.constant 10 : i32
      %get3A_76 = arith.index_cast %get3A_75 : i32 to index
      %get3A_77 = arith.constant 0 : index
      %get3A_78 = tpu.vector_load %arg7[%get3A_76, %get3A_77] {strides = array<i32>} : memref<100x16xf32, #tpu.memory_space<vmem>>, vector<1x16xf32>,
      %get3A_79 = vector.shape_cast %get3A_78 : vector<1x16xf32> to vector<16xf32>
      %add3A_80 = arith.addf %add3A_74, %get3A_79 : vector<16xf32>
      %get3A_81 = arith.constant 11 : i32
      %get3A_82 = arith.index_cast %get3A_81 : i32 to index
      %get3A_83 = arith.constant 0 : index
      %get3A_84 = tpu.vector_load %arg7[%get3A_82, %get3A_83] {strides = array<i32>} : memref<100x16xf32, #tpu.memory_space<vmem>>, vector<1x16xf32>,
      %get3A_85 = vector.shape_cast %get3A_84 : vector<1x16xf32> to vector<16xf32>
      %add3A_86 = arith.addf %add3A_80, %get3A_85 : vector<16xf32>
      %get3A_87 = arith.constant 12 : i32
      %get3A_88 = arith.index_cast %get3A_87 : i32 to index
      %get3A_89 = arith.constant 0 : index
      %get3A_90 = tpu.vector_load %arg7[%get3A_88, %get3A_89] {strides = array<i32>} : memref<100x16xf32, #tpu.memory_space<vmem>>, vector<1x16xf32>,
      %get3A_91 = vector.shape_cast %get3A_90 : vector<1x16xf32> to vector<16xf32>
      %add3A_92 = arith.addf %add3A_86, %get3A_91 : vector<16xf32>
      %get3A_93 = arith.constant 13 : i32
      %get3A_94 = arith.index_cast %get3A_93 : i32 to index
      %get3A_95 = arith.constant 0 : index
      %get3A_96 = tpu.vector_load %arg7[%get3A_94, %get3A_95] {strides = array<i32>} : memref<100x16xf32, #tpu.memory_space<vmem>>, vector<1x16xf32>,
      %get3A_97 = vector.shape_cast %get3A_96 : vector<1x16xf32> to vector<16xf32>
      %add3A_98 = arith.addf %add3A_92, %get3A_97 : vector<16xf32>
      %get3A_99 = arith.constant 14 : i32
      %get3A_100 = arith.index_cast %get3A_99 : i32 to index
      %get3A_101 = arith.constant 0 : index
      %get3A_102 = tpu.vector_load %arg7[%get3A_100, %get3A_101] {strides = array<i32>} : memref<100x16xf32, #tpu.memory_space<vmem>>, vector<1x16xf32>,
      %get3A_103 = vector.shape_cast %get3A_102 : vector<1x16xf32> to vector<16xf32>
      %add3A_104 = arith.addf %add3A_98, %get3A_103 : vector<16xf32>
      %get3A_105 = arith.constant 15 : i32
      %get3A_106 = arith.index_cast %get3A_105 : i32 to index
      %get3A_107 = arith.constant 0 : index
      %get3A_108 = tpu.vector_load %arg7[%get3A_106, %get3A_107] {strides = array<i32>} : memref<100x16xf32, #tpu.memory_space<vmem>>, vector<1x16xf32>,
      %get3A_109 = vector.shape_cast %get3A_108 : vector<1x16xf32> to vector<16xf32>
      %add3A_110 = arith.addf %add3A_104, %get3A_109 : vector<16xf32>
      %get3A_111 = arith.constant 16 : i32
      %get3A_112 = arith.index_cast %get3A_111 : i32 to index
      %get3A_113 = arith.constant 0 : index
      %get3A_114 = tpu.vector_load %arg7[%get3A_112, %get3A_113] {strides = array<i32>} : memref<100x16xf32, #tpu.memory_space<vmem>>, vector<1x16xf32>,
      %get3A_115 = vector.shape_cast %get3A_114 : vector<1x16xf32> to vector<16xf32>
      %add3A_116 = arith.addf %add3A_110, %get3A_115 : vector<16xf32>
      %get3A_117 = arith.constant 17 : i32
      %get3A_118 = arith.index_cast %get3A_117 : i32 to index
      %get3A_119 = arith.constant 0 : index
      %get3A_120 = tpu.vector_load %arg7[%get3A_118, %get3A_119] {strides = array<i32>} : memref<100x16xf32, #tpu.memory_space<vmem>>, vector<1x16xf32>,
      %get3A_121 = vector.shape_cast %get3A_120 : vector<1x16xf32> to vector<16xf32>
      %add3A_122 = arith.addf %add3A_116, %get3A_121 : vector<16xf32>
      %get3A_123 = arith.constant 18 : i32
      %get3A_124 = arith.index_cast %get3A_123 : i32 to index
      %get3A_125 = arith.constant 0 : index
      %get3A_126 = tpu.vector_load %arg7[%get3A_124, %get3A_125] {strides = array<i32>} : memref<100x16xf32, #tpu.memory_space<vmem>>, vector<1x16xf32>,
      %get3A_127 = vector.shape_cast %get3A_126 : vector<1x16xf32> to vector<16xf32>
      %add3A_128 = arith.addf %add3A_122, %get3A_127 : vector<16xf32>
      %get3A_129 = arith.constant 19 : i32
      %get3A_130 = arith.index_cast %get3A_129 : i32 to index
      %get3A_131 = arith.constant 0 : index
      %get3A_132 = tpu.vector_load %arg7[%get3A_130, %get3A_131] {strides = array<i32>} : memref<100x16xf32, #tpu.memory_space<vmem>>, vector<1x16xf32>,
      %get3A_133 = vector.shape_cast %get3A_132 : vector<1x16xf32> to vector<16xf32>
      %add3A_134 = arith.addf %add3A_128, %get3A_133 : vector<16xf32>
      %mul3A_135 = arith.constant 5.000000e-02 : f32
      %mul3A_136 = vector.broadcast %mul3A_135 : f32 to vector<16xf32>
      %mul3A_137 = arith.mulf %add3A_134, %mul3A_136 : vector<16xf32>
      %mul3A_138 = arith.constant 5 : i32
      %mul3A_139 = arith.muli %scan3A_6, %mul3A_138 : i32
      %add3A_140 = arith.constant 0 : i32
      %add3A_141 = arith.addi %mul3A_139, %add3A_140 : i32
      %swap3A = arith.index_cast %add3A_141 : i32 to index
      %swap3A_142 = arith.constant 0 : index
      %swap3A_143 = tpu.vector_load %arg6[%swap3A, %swap3A_142] {strides = array<i32>} : memref<2560x16xf32, #tpu.memory_space<vmem>>, vector<1x16xf32>,
      %swap3A_144 = vector.shape_cast %swap3A_143 : vector<1x16xf32> to vector<16xf32>
      %swap3A_145 = vector.shape_cast %mul3A_137 : vector<16xf32> to vector<1x16xf32>
      tpu.vector_store %arg6[%swap3A, %swap3A_142], %swap3A_145 {strides = array<i32>} : memref<2560x16xf32, #tpu.memory_space<vmem>>, vector<1x16xf32>,
      %get3A_146 = arith.constant 20 : i32
      %get3A_147 = arith.index_cast %get3A_146 : i32 to index
      %get3A_148 = arith.constant 0 : index
      %get3A_149 = tpu.vector_load %arg7[%get3A_147, %get3A_148] {strides = array<i32>} : memref<100x16xf32, #tpu.memory_space<vmem>>, vector<1x16xf32>,
      %get3A_150 = vector.shape_cast %get3A_149 : vector<1x16xf32> to vector<16xf32>
      %get3A_151 = arith.constant 21 : i32
      %get3A_152 = arith.index_cast %get3A_151 : i32 to index
      %get3A_153 = arith.constant 0 : index
      %get3A_154 = tpu.vector_load %arg7[%get3A_152, %get3A_153] {strides = array<i32>} : memref<100x16xf32, #tpu.memory_space<vmem>>, vector<1x16xf32>,
      %get3A_155 = vector.shape_cast %get3A_154 : vector<1x16xf32> to vector<16xf32>
      %add3A_156 = arith.addf %get3A_150, %get3A_155 : vector<16xf32>
      %get3A_157 = arith.constant 22 : i32
      %get3A_158 = arith.index_cast %get3A_157 : i32 to index
      %get3A_159 = arith.constant 0 : index
      %get3A_160 = tpu.vector_load %arg7[%get3A_158, %get3A_159] {strides = array<i32>} : memref<100x16xf32, #tpu.memory_space<vmem>>, vector<1x16xf32>,
      %get3A_161 = vector.shape_cast %get3A_160 : vector<1x16xf32> to vector<16xf32>
      %add3A_162 = arith.addf %add3A_156, %get3A_161 : vector<16xf32>
      %get3A_163 = arith.constant 23 : i32
      %get3A_164 = arith.index_cast %get3A_163 : i32 to index
      %get3A_165 = arith.constant 0 : index
      %get3A_166 = tpu.vector_load %arg7[%get3A_164, %get3A_165] {strides = array<i32>} : memref<100x16xf32, #tpu.memory_space<vmem>>, vector<1x16xf32>,
      %get3A_167 = vector.shape_cast %get3A_166 : vector<1x16xf32> to vector<16xf32>
      %add3A_168 = arith.addf %add3A_162, %get3A_167 : vector<16xf32>
      %get3A_169 = arith.constant 24 : i32
      %get3A_170 = arith.index_cast %get3A_169 : i32 to index
      %get3A_171 = arith.constant 0 : index
      %get3A_172 = tpu.vector_load %arg7[%get3A_170, %get3A_171] {strides = array<i32>} : memref<100x16xf32, #tpu.memory_space<vmem>>, vector<1x16xf32>,
      %get3A_173 = vector.shape_cast %get3A_172 : vector<1x16xf32> to vector<16xf32>
      %add3A_174 = arith.addf %add3A_168, %get3A_173 : vector<16xf32>
      %get3A_175 = arith.constant 25 : i32
      %get3A_176 = arith.index_cast %get3A_175 : i32 to index
      %get3A_177 = arith.constant 0 : index
      %get3A_178 = tpu.vector_load %arg7[%get3A_176, %get3A_177] {strides = array<i32>} : memref<100x16xf32, #tpu.memory_space<vmem>>, vector<1x16xf32>,
      %get3A_179 = vector.shape_cast %get3A_178 : vector<1x16xf32> to vector<16xf32>
      %add3A_180 = arith.addf %add3A_174, %get3A_179 : vector<16xf32>
      %get3A_181 = arith.constant 26 : i32
      %get3A_182 = arith.index_cast %get3A_181 : i32 to index
      %get3A_183 = arith.constant 0 : index
      %get3A_184 = tpu.vector_load %arg7[%get3A_182, %get3A_183] {strides = array<i32>} : memref<100x16xf32, #tpu.memory_space<vmem>>, vector<1x16xf32>,
      %get3A_185 = vector.shape_cast %get3A_184 : vector<1x16xf32> to vector<16xf32>
      %add3A_186 = arith.addf %add3A_180, %get3A_185 : vector<16xf32>
      %get3A_187 = arith.constant 27 : i32
      %get3A_188 = arith.index_cast %get3A_187 : i32 to index
      %get3A_189 = arith.constant 0 : index
      %get3A_190 = tpu.vector_load %arg7[%get3A_188, %get3A_189] {strides = array<i32>} : memref<100x16xf32, #tpu.memory_space<vmem>>, vector<1x16xf32>,
      %get3A_191 = vector.shape_cast %get3A_190 : vector<1x16xf32> to vector<16xf32>
      %add3A_192 = arith.addf %add3A_186, %get3A_191 : vector<16xf32>
      %get3A_193 = arith.constant 28 : i32
      %get3A_194 = arith.index_cast %get3A_193 : i32 to index
      %get3A_195 = arith.constant 0 : index
      %get3A_196 = tpu.vector_load %arg7[%get3A_194, %get3A_195] {strides = array<i32>} : memref<100x16xf32, #tpu.memory_space<vmem>>, vector<1x16xf32>,
      %get3A_197 = vector.shape_cast %get3A_196 : vector<1x16xf32> to vector<16xf32>
      %add3A_198 = arith.addf %add3A_192, %get3A_197 : vector<16xf32>
      %get3A_199 = arith.constant 29 : i32
      %get3A_200 = arith.index_cast %get3A_199 : i32 to index
      %get3A_201 = arith.constant 0 : index
      %get3A_202 = tpu.vector_load %arg7[%get3A_200, %get3A_201] {strides = array<i32>} : memref<100x16xf32, #tpu.memory_space<vmem>>, vector<1x16xf32>,
      %get3A_203 = vector.shape_cast %get3A_202 : vector<1x16xf32> to vector<16xf32>
      %add3A_204 = arith.addf %add3A_198, %get3A_203 : vector<16xf32>
      %get3A_205 = arith.constant 30 : i32
      %get3A_206 = arith.index_cast %get3A_205 : i32 to index
      %get3A_207 = arith.constant 0 : index
      %get3A_208 = tpu.vector_load %arg7[%get3A_206, %get3A_207] {strides = array<i32>} : memref<100x16xf32, #tpu.memory_space<vmem>>, vector<1x16xf32>,
      %get3A_209 = vector.shape_cast %get3A_208 : vector<1x16xf32> to vector<16xf32>
      %add3A_210 = arith.addf %add3A_204, %get3A_209 : vector<16xf32>
      %get3A_211 = arith.constant 31 : i32
      %get3A_212 = arith.index_cast %get3A_211 : i32 to index
      %get3A_213 = arith.constant 0 : index
      %get3A_214 = tpu.vector_load %arg7[%get3A_212, %get3A_213] {strides = array<i32>} : memref<100x16xf32, #tpu.memory_space<vmem>>, vector<1x16xf32>,
      %get3A_215 = vector.shape_cast %get3A_214 : vector<1x16xf32> to vector<16xf32>
      %add3A_216 = arith.addf %add3A_210, %get3A_215 : vector<16xf32>
      %get3A_217 = arith.constant 32 : i32
      %get3A_218 = arith.index_cast %get3A_217 : i32 to index
      %get3A_219 = arith.constant 0 : index
      %get3A_220 = tpu.vector_load %arg7[%get3A_218, %get3A_219] {strides = array<i32>} : memref<100x16xf32, #tpu.memory_space<vmem>>, vector<1x16xf32>,
      %get3A_221 = vector.shape_cast %get3A_220 : vector<1x16xf32> to vector<16xf32>
      %add3A_222 = arith.addf %add3A_216, %get3A_221 : vector<16xf32>
      %get3A_223 = arith.constant 33 : i32
      %get3A_224 = arith.index_cast %get3A_223 : i32 to index
      %get3A_225 = arith.constant 0 : index
      %get3A_226 = tpu.vector_load %arg7[%get3A_224, %get3A_225] {strides = array<i32>} : memref<100x16xf32, #tpu.memory_space<vmem>>, vector<1x16xf32>,
      %get3A_227 = vector.shape_cast %get3A_226 : vector<1x16xf32> to vector<16xf32>
      %add3A_228 = arith.addf %add3A_222, %get3A_227 : vector<16xf32>
      %get3A_229 = arith.constant 34 : i32
      %get3A_230 = arith.index_cast %get3A_229 : i32 to index
      %get3A_231 = arith.constant 0 : index
      %get3A_232 = tpu.vector_load %arg7[%get3A_230, %get3A_231] {strides = array<i32>} : memref<100x16xf32, #tpu.memory_space<vmem>>, vector<1x16xf32>,
      %get3A_233 = vector.shape_cast %get3A_232 : vector<1x16xf32> to vector<16xf32>
      %add3A_234 = arith.addf %add3A_228, %get3A_233 : vector<16xf32>
      %get3A_235 = arith.constant 35 : i32
      %get3A_236 = arith.index_cast %get3A_235 : i32 to index
      %get3A_237 = arith.constant 0 : index
      %get3A_238 = tpu.vector_load %arg7[%get3A_236, %get3A_237] {strides = array<i32>} : memref<100x16xf32, #tpu.memory_space<vmem>>, vector<1x16xf32>,
      %get3A_239 = vector.shape_cast %get3A_238 : vector<1x16xf32> to vector<16xf32>
      %add3A_240 = arith.addf %add3A_234, %get3A_239 : vector<16xf32>
      %get3A_241 = arith.constant 36 : i32
      %get3A_242 = arith.index_cast %get3A_241 : i32 to index
      %get3A_243 = arith.constant 0 : index
      %get3A_244 = tpu.vector_load %arg7[%get3A_242, %get3A_243] {strides = array<i32>} : memref<100x16xf32, #tpu.memory_space<vmem>>, vector<1x16xf32>,
      %get3A_245 = vector.shape_cast %get3A_244 : vector<1x16xf32> to vector<16xf32>
      %add3A_246 = arith.addf %add3A_240, %get3A_245 : vector<16xf32>
      %get3A_247 = arith.constant 37 : i32
      %get3A_248 = arith.index_cast %get3A_247 : i32 to index
      %get3A_249 = arith.constant 0 : index
      %get3A_250 = tpu.vector_load %arg7[%get3A_248, %get3A_249] {strides = array<i32>} : memref<100x16xf32, #tpu.memory_space<vmem>>, vector<1x16xf32>,
      %get3A_251 = vector.shape_cast %get3A_250 : vector<1x16xf32> to vector<16xf32>
      %add3A_252 = arith.addf %add3A_246, %get3A_251 : vector<16xf32>
      %get3A_253 = arith.constant 38 : i32
      %get3A_254 = arith.index_cast %get3A_253 : i32 to index
      %get3A_255 = arith.constant 0 : index
      %get3A_256 = tpu.vector_load %arg7[%get3A_254, %get3A_255] {strides = array<i32>} : memref<100x16xf32, #tpu.memory_space<vmem>>, vector<1x16xf32>,
      %get3A_257 = vector.shape_cast %get3A_256 : vector<1x16xf32> to vector<16xf32>
      %add3A_258 = arith.addf %add3A_252, %get3A_257 : vector<16xf32>
      %get3A_259 = arith.constant 39 : i32
      %get3A_260 = arith.index_cast %get3A_259 : i32 to index
      %get3A_261 = arith.constant 0 : index
      %get3A_262 = tpu.vector_load %arg7[%get3A_260, %get3A_261] {strides = array<i32>} : memref<100x16xf32, #tpu.memory_space<vmem>>, vector<1x16xf32>,
      %get3A_263 = vector.shape_cast %get3A_262 : vector<1x16xf32> to vector<16xf32>
      %add3A_264 = arith.addf %add3A_258, %get3A_263 : vector<16xf32>
      %mul3A_265 = arith.constant 5.000000e-02 : f32
      %mul3A_266 = vector.broadcast %mul3A_265 : f32 to vector<16xf32>
      %mul3A_267 = arith.mulf %add3A_264, %mul3A_266 : vector<16xf32>
      %mul3A_268 = arith.constant 5 : i32
      %mul3A_269 = arith.muli %scan3A_6, %mul3A_268 : i32
      %add3A_270 = arith.constant 1 : i32
      %add3A_271 = arith.addi %mul3A_269, %add3A_270 : i32
      %swap3A_272 = arith.index_cast %add3A_271 : i32 to index
      %swap3A_273 = arith.constant 0 : index
      %swap3A_274 = tpu.vector_load %arg6[%swap3A_272, %swap3A_273] {strides = array<i32>} : memref<2560x16xf32, #tpu.memory_space<vmem>>, vector<1x16xf32>,
      %swap3A_275 = vector.shape_cast %swap3A_274 : vector<1x16xf32> to vector<16xf32>
      %swap3A_276 = vector.shape_cast %mul3A_267 : vector<16xf32> to vector<1x16xf32>
      tpu.vector_store %arg6[%swap3A_272, %swap3A_273], %swap3A_276 {strides = array<i32>} : memref<2560x16xf32, #tpu.memory_space<vmem>>, vector<1x16xf32>,
      %get3A_277 = arith.constant 40 : i32
      %get3A_278 = arith.index_cast %get3A_277 : i32 to index
      %get3A_279 = arith.constant 0 : index
      %get3A_280 = tpu.vector_load %arg7[%get3A_278, %get3A_279] {strides = array<i32>} : memref<100x16xf32, #tpu.memory_space<vmem>>, vector<1x16xf32>,
      %get3A_281 = vector.shape_cast %get3A_280 : vector<1x16xf32> to vector<16xf32>
      %get3A_282 = arith.constant 41 : i32
      %get3A_283 = arith.index_cast %get3A_282 : i32 to index
      %get3A_284 = arith.constant 0 : index
      %get3A_285 = tpu.vector_load %arg7[%get3A_283, %get3A_284] {strides = array<i32>} : memref<100x16xf32, #tpu.memory_space<vmem>>, vector<1x16xf32>,
      %get3A_286 = vector.shape_cast %get3A_285 : vector<1x16xf32> to vector<16xf32>
      %add3A_287 = arith.addf %get3A_281, %get3A_286 : vector<16xf32>
      %get3A_288 = arith.constant 42 : i32
      %get3A_289 = arith.index_cast %get3A_288 : i32 to index
      %get3A_290 = arith.constant 0 : index
      %get3A_291 = tpu.vector_load %arg7[%get3A_289, %get3A_290] {strides = array<i32>} : memref<100x16xf32, #tpu.memory_space<vmem>>, vector<1x16xf32>,
      %get3A_292 = vector.shape_cast %get3A_291 : vector<1x16xf32> to vector<16xf32>
      %add3A_293 = arith.addf %add3A_287, %get3A_292 : vector<16xf32>
      %get3A_294 = arith.constant 43 : i32
      %get3A_295 = arith.index_cast %get3A_294 : i32 to index
      %get3A_296 = arith.constant 0 : index
      %get3A_297 = tpu.vector_load %arg7[%get3A_295, %get3A_296] {strides = array<i32>} : memref<100x16xf32, #tpu.memory_space<vmem>>, vector<1x16xf32>,
      %get3A_298 = vector.shape_cast %get3A_297 : vector<1x16xf32> to vector<16xf32>
      %add3A_299 = arith.addf %add3A_293, %get3A_298 : vector<16xf32>
      %get3A_300 = arith.constant 44 : i32
      %get3A_301 = arith.index_cast %get3A_300 : i32 to index
      %get3A_302 = arith.constant 0 : index
      %get3A_303 = tpu.vector_load %arg7[%get3A_301, %get3A_302] {strides = array<i32>} : memref<100x16xf32, #tpu.memory_space<vmem>>, vector<1x16xf32>,
      %get3A_304 = vector.shape_cast %get3A_303 : vector<1x16xf32> to vector<16xf32>
      %add3A_305 = arith.addf %add3A_299, %get3A_304 : vector<16xf32>
      %get3A_306 = arith.constant 45 : i32
      %get3A_307 = arith.index_cast %get3A_306 : i32 to index
      %get3A_308 = arith.constant 0 : index
      %get3A_309 = tpu.vector_load %arg7[%get3A_307, %get3A_308] {strides = array<i32>} : memref<100x16xf32, #tpu.memory_space<vmem>>, vector<1x16xf32>,
      %get3A_310 = vector.shape_cast %get3A_309 : vector<1x16xf32> to vector<16xf32>
      %add3A_311 = arith.addf %add3A_305, %get3A_310 : vector<16xf32>
      %get3A_312 = arith.constant 46 : i32
      %get3A_313 = arith.index_cast %get3A_312 : i32 to index
      %get3A_314 = arith.constant 0 : index
      %get3A_315 = tpu.vector_load %arg7[%get3A_313, %get3A_314] {strides = array<i32>} : memref<100x16xf32, #tpu.memory_space<vmem>>, vector<1x16xf32>,
      %get3A_316 = vector.shape_cast %get3A_315 : vector<1x16xf32> to vector<16xf32>
      %add3A_317 = arith.addf %add3A_311, %get3A_316 : vector<16xf32>
      %get3A_318 = arith.constant 47 : i32
      %get3A_319 = arith.index_cast %get3A_318 : i32 to index
      %get3A_320 = arith.constant 0 : index
      %get3A_321 = tpu.vector_load %arg7[%get3A_319, %get3A_320] {strides = array<i32>} : memref<100x16xf32, #tpu.memory_space<vmem>>, vector<1x16xf32>,
      %get3A_322 = vector.shape_cast %get3A_321 : vector<1x16xf32> to vector<16xf32>
      %add3A_323 = arith.addf %add3A_317, %get3A_322 : vector<16xf32>
      %get3A_324 = arith.constant 48 : i32
      %get3A_325 = arith.index_cast %get3A_324 : i32 to index
      %get3A_326 = arith.constant 0 : index
      %get3A_327 = tpu.vector_load %arg7[%get3A_325, %get3A_326] {strides = array<i32>} : memref<100x16xf32, #tpu.memory_space<vmem>>, vector<1x16xf32>,
      %get3A_328 = vector.shape_cast %get3A_327 : vector<1x16xf32> to vector<16xf32>
      %add3A_329 = arith.addf %add3A_323, %get3A_328 : vector<16xf32>
      %get3A_330 = arith.constant 49 : i32
      %get3A_331 = arith.index_cast %get3A_330 : i32 to index
      %get3A_332 = arith.constant 0 : index
      %get3A_333 = tpu.vector_load %arg7[%get3A_331, %get3A_332] {strides = array<i32>} : memref<100x16xf32, #tpu.memory_space<vmem>>, vector<1x16xf32>,
      %get3A_334 = vector.shape_cast %get3A_333 : vector<1x16xf32> to vector<16xf32>
      %add3A_335 = arith.addf %add3A_329, %get3A_334 : vector<16xf32>
      %get3A_336 = arith.constant 50 : i32
      %get3A_337 = arith.index_cast %get3A_336 : i32 to index
      %get3A_338 = arith.constant 0 : index
      %get3A_339 = tpu.vector_load %arg7[%get3A_337, %get3A_338] {strides = array<i32>} : memref<100x16xf32, #tpu.memory_space<vmem>>, vector<1x16xf32>,
      %get3A_340 = vector.shape_cast %get3A_339 : vector<1x16xf32> to vector<16xf32>
      %add3A_341 = arith.addf %add3A_335, %get3A_340 : vector<16xf32>
      %get3A_342 = arith.constant 51 : i32
      %get3A_343 = arith.index_cast %get3A_342 : i32 to index
      %get3A_344 = arith.constant 0 : index
      %get3A_345 = tpu.vector_load %arg7[%get3A_343, %get3A_344] {strides = array<i32>} : memref<100x16xf32, #tpu.memory_space<vmem>>, vector<1x16xf32>,
      %get3A_346 = vector.shape_cast %get3A_345 : vector<1x16xf32> to vector<16xf32>
      %add3A_347 = arith.addf %add3A_341, %get3A_346 : vector<16xf32>
      %get3A_348 = arith.constant 52 : i32
      %get3A_349 = arith.index_cast %get3A_348 : i32 to index
      %get3A_350 = arith.constant 0 : index
      %get3A_351 = tpu.vector_load %arg7[%get3A_349, %get3A_350] {strides = array<i32>} : memref<100x16xf32, #tpu.memory_space<vmem>>, vector<1x16xf32>,
      %get3A_352 = vector.shape_cast %get3A_351 : vector<1x16xf32> to vector<16xf32>
      %add3A_353 = arith.addf %add3A_347, %get3A_352 : vector<16xf32>
      %get3A_354 = arith.constant 53 : i32
      %get3A_355 = arith.index_cast %get3A_354 : i32 to index
      %get3A_356 = arith.constant 0 : index
      %get3A_357 = tpu.vector_load %arg7[%get3A_355, %get3A_356] {strides = array<i32>} : memref<100x16xf32, #tpu.memory_space<vmem>>, vector<1x16xf32>,
      %get3A_358 = vector.shape_cast %get3A_357 : vector<1x16xf32> to vector<16xf32>
      %add3A_359 = arith.addf %add3A_353, %get3A_358 : vector<16xf32>
      %get3A_360 = arith.constant 54 : i32
      %get3A_361 = arith.index_cast %get3A_360 : i32 to index
      %get3A_362 = arith.constant 0 : index
      %get3A_363 = tpu.vector_load %arg7[%get3A_361, %get3A_362] {strides = array<i32>} : memref<100x16xf32, #tpu.memory_space<vmem>>, vector<1x16xf32>,
      %get3A_364 = vector.shape_cast %get3A_363 : vector<1x16xf32> to vector<16xf32>
      %add3A_365 = arith.addf %add3A_359, %get3A_364 : vector<16xf32>
      %get3A_366 = arith.constant 55 : i32
      %get3A_367 = arith.index_cast %get3A_366 : i32 to index
      %get3A_368 = arith.constant 0 : index
      %get3A_369 = tpu.vector_load %arg7[%get3A_367, %get3A_368] {strides = array<i32>} : memref<100x16xf32, #tpu.memory_space<vmem>>, vector<1x16xf32>,
      %get3A_370 = vector.shape_cast %get3A_369 : vector<1x16xf32> to vector<16xf32>
      %add3A_371 = arith.addf %add3A_365, %get3A_370 : vector<16xf32>
      %get3A_372 = arith.constant 56 : i32
      %get3A_373 = arith.index_cast %get3A_372 : i32 to index
      %get3A_374 = arith.constant 0 : index
      %get3A_375 = tpu.vector_load %arg7[%get3A_373, %get3A_374] {strides = array<i32>} : memref<100x16xf32, #tpu.memory_space<vmem>>, vector<1x16xf32>,
      %get3A_376 = vector.shape_cast %get3A_375 : vector<1x16xf32> to vector<16xf32>
      %add3A_377 = arith.addf %add3A_371, %get3A_376 : vector<16xf32>
      %get3A_378 = arith.constant 57 : i32
      %get3A_379 = arith.index_cast %get3A_378 : i32 to index
      %get3A_380 = arith.constant 0 : index
      %get3A_381 = tpu.vector_load %arg7[%get3A_379, %get3A_380] {strides = array<i32>} : memref<100x16xf32, #tpu.memory_space<vmem>>, vector<1x16xf32>,
      %get3A_382 = vector.shape_cast %get3A_381 : vector<1x16xf32> to vector<16xf32>
      %add3A_383 = arith.addf %add3A_377, %get3A_382 : vector<16xf32>
      %get3A_384 = arith.constant 58 : i32
      %get3A_385 = arith.index_cast %get3A_384 : i32 to index
      %get3A_386 = arith.constant 0 : index
      %get3A_387 = tpu.vector_load %arg7[%get3A_385, %get3A_386] {strides = array<i32>} : memref<100x16xf32, #tpu.memory_space<vmem>>, vector<1x16xf32>,
      %get3A_388 = vector.shape_cast %get3A_387 : vector<1x16xf32> to vector<16xf32>
      %add3A_389 = arith.addf %add3A_383, %get3A_388 : vector<16xf32>
      %get3A_390 = arith.constant 59 : i32
      %get3A_391 = arith.index_cast %get3A_390 : i32 to index
      %get3A_392 = arith.constant 0 : index
      %get3A_393 = tpu.vector_load %arg7[%get3A_391, %get3A_392] {strides = array<i32>} : memref<100x16xf32, #tpu.memory_space<vmem>>, vector<1x16xf32>,
      %get3A_394 = vector.shape_cast %get3A_393 : vector<1x16xf32> to vector<16xf32>
      %add3A_395 = arith.addf %add3A_389, %get3A_394 : vector<16xf32>
      %mul3A_396 = arith.constant 5.000000e-02 : f32
      %mul3A_397 = vector.broadcast %mul3A_396 : f32 to vector<16xf32>
      %mul3A_398 = arith.mulf %add3A_395, %mul3A_397 : vector<16xf32>
      %mul3A_399 = arith.constant 5 : i32
      %mul3A_400 = arith.muli %scan3A_6, %mul3A_399 : i32
      %add3A_401 = arith.constant 2 : i32
      %add3A_402 = arith.addi %mul3A_400, %add3A_401 : i32
      %swap3A_403 = arith.index_cast %add3A_402 : i32 to index
      %swap3A_404 = arith.constant 0 : index
      %swap3A_405 = tpu.vector_load %arg6[%swap3A_403, %swap3A_404] {strides = array<i32>} : memref<2560x16xf32, #tpu.memory_space<vmem>>, vector<1x16xf32>,
      %swap3A_406 = vector.shape_cast %swap3A_405 : vector<1x16xf32> to vector<16xf32>
      %swap3A_407 = vector.shape_cast %mul3A_398 : vector<16xf32> to vector<1x16xf32>
      tpu.vector_store %arg6[%swap3A_403, %swap3A_404], %swap3A_407 {strides = array<i32>} : memref<2560x16xf32, #tpu.memory_space<vmem>>, vector<1x16xf32>,
      %get3A_408 = arith.constant 60 : i32
      %get3A_409 = arith.index_cast %get3A_408 : i32 to index
      %get3A_410 = arith.constant 0 : index
      %get3A_411 = tpu.vector_load %arg7[%get3A_409, %get3A_410] {strides = array<i32>} : memref<100x16xf32, #tpu.memory_space<vmem>>, vector<1x16xf32>,
      %get3A_412 = vector.shape_cast %get3A_411 : vector<1x16xf32> to vector<16xf32>
      %get3A_413 = arith.constant 61 : i32
      %get3A_414 = arith.index_cast %get3A_413 : i32 to index
      %get3A_415 = arith.constant 0 : index
      %get3A_416 = tpu.vector_load %arg7[%get3A_414, %get3A_415] {strides = array<i32>} : memref<100x16xf32, #tpu.memory_space<vmem>>, vector<1x16xf32>,
      %get3A_417 = vector.shape_cast %get3A_416 : vector<1x16xf32> to vector<16xf32>
      %add3A_418 = arith.addf %get3A_412, %get3A_417 : vector<16xf32>
      %get3A_419 = arith.constant 62 : i32
      %get3A_420 = arith.index_cast %get3A_419 : i32 to index
      %get3A_421 = arith.constant 0 : index
      %get3A_422 = tpu.vector_load %arg7[%get3A_420, %get3A_421] {strides = array<i32>} : memref<100x16xf32, #tpu.memory_space<vmem>>, vector<1x16xf32>,
      %get3A_423 = vector.shape_cast %get3A_422 : vector<1x16xf32> to vector<16xf32>
      %add3A_424 = arith.addf %add3A_418, %get3A_423 : vector<16xf32>
      %get3A_425 = arith.constant 63 : i32
      %get3A_426 = arith.index_cast %get3A_425 : i32 to index
      %get3A_427 = arith.constant 0 : index
      %get3A_428 = tpu.vector_load %arg7[%get3A_426, %get3A_427] {strides = array<i32>} : memref<100x16xf32, #tpu.memory_space<vmem>>, vector<1x16xf32>,
      %get3A_429 = vector.shape_cast %get3A_428 : vector<1x16xf32> to vector<16xf32>
      %add3A_430 = arith.addf %add3A_424, %get3A_429 : vector<16xf32>
      %get3A_431 = arith.constant 64 : i32
      %get3A_432 = arith.index_cast %get3A_431 : i32 to index
      %get3A_433 = arith.constant 0 : index
      %get3A_434 = tpu.vector_load %arg7[%get3A_432, %get3A_433] {strides = array<i32>} : memref<100x16xf32, #tpu.memory_space<vmem>>, vector<1x16xf32>,
      %get3A_435 = vector.shape_cast %get3A_434 : vector<1x16xf32> to vector<16xf32>
      %add3A_436 = arith.addf %add3A_430, %get3A_435 : vector<16xf32>
      %get3A_437 = arith.constant 65 : i32
      %get3A_438 = arith.index_cast %get3A_437 : i32 to index
      %get3A_439 = arith.constant 0 : index
      %get3A_440 = tpu.vector_load %arg7[%get3A_438, %get3A_439] {strides = array<i32>} : memref<100x16xf32, #tpu.memory_space<vmem>>, vector<1x16xf32>,
      %get3A_441 = vector.shape_cast %get3A_440 : vector<1x16xf32> to vector<16xf32>
      %add3A_442 = arith.addf %add3A_436, %get3A_441 : vector<16xf32>
      %get3A_443 = arith.constant 66 : i32
      %get3A_444 = arith.index_cast %get3A_443 : i32 to index
      %get3A_445 = arith.constant 0 : index
      %get3A_446 = tpu.vector_load %arg7[%get3A_444, %get3A_445] {strides = array<i32>} : memref<100x16xf32, #tpu.memory_space<vmem>>, vector<1x16xf32>,
      %get3A_447 = vector.shape_cast %get3A_446 : vector<1x16xf32> to vector<16xf32>
      %add3A_448 = arith.addf %add3A_442, %get3A_447 : vector<16xf32>
      %get3A_449 = arith.constant 67 : i32
      %get3A_450 = arith.index_cast %get3A_449 : i32 to index
      %get3A_451 = arith.constant 0 : index
      %get3A_452 = tpu.vector_load %arg7[%get3A_450, %get3A_451] {strides = array<i32>} : memref<100x16xf32, #tpu.memory_space<vmem>>, vector<1x16xf32>,
      %get3A_453 = vector.shape_cast %get3A_452 : vector<1x16xf32> to vector<16xf32>
      %add3A_454 = arith.addf %add3A_448, %get3A_453 : vector<16xf32>
      %get3A_455 = arith.constant 68 : i32
      %get3A_456 = arith.index_cast %get3A_455 : i32 to index
      %get3A_457 = arith.constant 0 : index
      %get3A_458 = tpu.vector_load %arg7[%get3A_456, %get3A_457] {strides = array<i32>} : memref<100x16xf32, #tpu.memory_space<vmem>>, vector<1x16xf32>,
      %get3A_459 = vector.shape_cast %get3A_458 : vector<1x16xf32> to vector<16xf32>
      %add3A_460 = arith.addf %add3A_454, %get3A_459 : vector<16xf32>
      %get3A_461 = arith.constant 69 : i32
      %get3A_462 = arith.index_cast %get3A_461 : i32 to index
      %get3A_463 = arith.constant 0 : index
      %get3A_464 = tpu.vector_load %arg7[%get3A_462, %get3A_463] {strides = array<i32>} : memref<100x16xf32, #tpu.memory_space<vmem>>, vector<1x16xf32>,
      %get3A_465 = vector.shape_cast %get3A_464 : vector<1x16xf32> to vector<16xf32>
      %add3A_466 = arith.addf %add3A_460, %get3A_465 : vector<16xf32>
      %get3A_467 = arith.constant 70 : i32
      %get3A_468 = arith.index_cast %get3A_467 : i32 to index
      %get3A_469 = arith.constant 0 : index
      %get3A_470 = tpu.vector_load %arg7[%get3A_468, %get3A_469] {strides = array<i32>} : memref<100x16xf32, #tpu.memory_space<vmem>>, vector<1x16xf32>,
      %get3A_471 = vector.shape_cast %get3A_470 : vector<1x16xf32> to vector<16xf32>
      %add3A_472 = arith.addf %add3A_466, %get3A_471 : vector<16xf32>
      %get3A_473 = arith.constant 71 : i32
      %get3A_474 = arith.index_cast %get3A_473 : i32 to index
      %get3A_475 = arith.constant 0 : index
      %get3A_476 = tpu.vector_load %arg7[%get3A_474, %get3A_475] {strides = array<i32>} : memref<100x16xf32, #tpu.memory_space<vmem>>, vector<1x16xf32>,
      %get3A_477 = vector.shape_cast %get3A_476 : vector<1x16xf32> to vector<16xf32>
      %add3A_478 = arith.addf %add3A_472, %get3A_477 : vector<16xf32>
      %get3A_479 = arith.constant 72 : i32
      %get3A_480 = arith.index_cast %get3A_479 : i32 to index
      %get3A_481 = arith.constant 0 : index
      %get3A_482 = tpu.vector_load %arg7[%get3A_480, %get3A_481] {strides = array<i32>} : memref<100x16xf32, #tpu.memory_space<vmem>>, vector<1x16xf32>,
      %get3A_483 = vector.shape_cast %get3A_482 : vector<1x16xf32> to vector<16xf32>
      %add3A_484 = arith.addf %add3A_478, %get3A_483 : vector<16xf32>
      %get3A_485 = arith.constant 73 : i32
      %get3A_486 = arith.index_cast %get3A_485 : i32 to index
      %get3A_487 = arith.constant 0 : index
      %get3A_488 = tpu.vector_load %arg7[%get3A_486, %get3A_487] {strides = array<i32>} : memref<100x16xf32, #tpu.memory_space<vmem>>, vector<1x16xf32>,
      %get3A_489 = vector.shape_cast %get3A_488 : vector<1x16xf32> to vector<16xf32>
      %add3A_490 = arith.addf %add3A_484, %get3A_489 : vector<16xf32>
      %get3A_491 = arith.constant 74 : i32
      %get3A_492 = arith.index_cast %get3A_491 : i32 to index
      %get3A_493 = arith.constant 0 : index
      %get3A_494 = tpu.vector_load %arg7[%get3A_492, %get3A_493] {strides = array<i32>} : memref<100x16xf32, #tpu.memory_space<vmem>>, vector<1x16xf32>,
      %get3A_495 = vector.shape_cast %get3A_494 : vector<1x16xf32> to vector<16xf32>
      %add3A_496 = arith.addf %add3A_490, %get3A_495 : vector<16xf32>
      %get3A_497 = arith.constant 75 : i32
      %get3A_498 = arith.index_cast %get3A_497 : i32 to index
      %get3A_499 = arith.constant 0 : index
      %get3A_500 = tpu.vector_load %arg7[%get3A_498, %get3A_499] {strides = array<i32>} : memref<100x16xf32, #tpu.memory_space<vmem>>, vector<1x16xf32>,
      %get3A_501 = vector.shape_cast %get3A_500 : vector<1x16xf32> to vector<16xf32>
      %add3A_502 = arith.addf %add3A_496, %get3A_501 : vector<16xf32>
      %get3A_503 = arith.constant 76 : i32
      %get3A_504 = arith.index_cast %get3A_503 : i32 to index
      %get3A_505 = arith.constant 0 : index
      %get3A_506 = tpu.vector_load %arg7[%get3A_504, %get3A_505] {strides = array<i32>} : memref<100x16xf32, #tpu.memory_space<vmem>>, vector<1x16xf32>,
      %get3A_507 = vector.shape_cast %get3A_506 : vector<1x16xf32> to vector<16xf32>
      %add3A_508 = arith.addf %add3A_502, %get3A_507 : vector<16xf32>
      %get3A_509 = arith.constant 77 : i32
      %get3A_510 = arith.index_cast %get3A_509 : i32 to index
      %get3A_511 = arith.constant 0 : index
      %get3A_512 = tpu.vector_load %arg7[%get3A_510, %get3A_511] {strides = array<i32>} : memref<100x16xf32, #tpu.memory_space<vmem>>, vector<1x16xf32>,
      %get3A_513 = vector.shape_cast %get3A_512 : vector<1x16xf32> to vector<16xf32>
      %add3A_514 = arith.addf %add3A_508, %get3A_513 : vector<16xf32>
      %get3A_515 = arith.constant 78 : i32
      %get3A_516 = arith.index_cast %get3A_515 : i32 to index
      %get3A_517 = arith.constant 0 : index
      %get3A_518 = tpu.vector_load %arg7[%get3A_516, %get3A_517] {strides = array<i32>} : memref<100x16xf32, #tpu.memory_space<vmem>>, vector<1x16xf32>,
      %get3A_519 = vector.shape_cast %get3A_518 : vector<1x16xf32> to vector<16xf32>
      %add3A_520 = arith.addf %add3A_514, %get3A_519 : vector<16xf32>
      %get3A_521 = arith.constant 79 : i32
      %get3A_522 = arith.index_cast %get3A_521 : i32 to index
      %get3A_523 = arith.constant 0 : index
      %get3A_524 = tpu.vector_load %arg7[%get3A_522, %get3A_523] {strides = array<i32>} : memref<100x16xf32, #tpu.memory_space<vmem>>, vector<1x16xf32>,
      %get3A_525 = vector.shape_cast %get3A_524 : vector<1x16xf32> to vector<16xf32>
      %add3A_526 = arith.addf %add3A_520, %get3A_525 : vector<16xf32>
      %mul3A_527 = arith.constant 5.000000e-02 : f32
      %mul3A_528 = vector.broadcast %mul3A_527 : f32 to vector<16xf32>
      %mul3A_529 = arith.mulf %add3A_526, %mul3A_528 : vector<16xf32>
      %mul3A_530 = arith.constant 5 : i32
      %mul3A_531 = arith.muli %scan3A_6, %mul3A_530 : i32
      %add3A_532 = arith.constant 3 : i32
      %add3A_533 = arith.addi %mul3A_531, %add3A_532 : i32
      %swap3A_534 = arith.index_cast %add3A_533 : i32 to index
      %swap3A_535 = arith.constant 0 : index
      %swap3A_536 = tpu.vector_load %arg6[%swap3A_534, %swap3A_535] {strides = array<i32>} : memref<2560x16xf32, #tpu.memory_space<vmem>>, vector<1x16xf32>,
      %swap3A_537 = vector.shape_cast %swap3A_536 : vector<1x16xf32> to vector<16xf32>
      %swap3A_538 = vector.shape_cast %mul3A_529 : vector<16xf32> to vector<1x16xf32>
      tpu.vector_store %arg6[%swap3A_534, %swap3A_535], %swap3A_538 {strides = array<i32>} : memref<2560x16xf32, #tpu.memory_space<vmem>>, vector<1x16xf32>,
      %get3A_539 = arith.constant 80 : i32
      %get3A_540 = arith.index_cast %get3A_539 : i32 to index
      %get3A_541 = arith.constant 0 : index
      %get3A_542 = tpu.vector_load %arg7[%get3A_540, %get3A_541] {strides = array<i32>} : memref<100x16xf32, #tpu.memory_space<vmem>>, vector<1x16xf32>,
      %get3A_543 = vector.shape_cast %get3A_542 : vector<1x16xf32> to vector<16xf32>
      %get3A_544 = arith.constant 81 : i32
      %get3A_545 = arith.index_cast %get3A_544 : i32 to index
      %get3A_546 = arith.constant 0 : index
      %get3A_547 = tpu.vector_load %arg7[%get3A_545, %get3A_546] {strides = array<i32>} : memref<100x16xf32, #tpu.memory_space<vmem>>, vector<1x16xf32>,
      %get3A_548 = vector.shape_cast %get3A_547 : vector<1x16xf32> to vector<16xf32>
      %add3A_549 = arith.addf %get3A_543, %get3A_548 : vector<16xf32>
      %get3A_550 = arith.constant 82 : i32
      %get3A_551 = arith.index_cast %get3A_550 : i32 to index
      %get3A_552 = arith.constant 0 : index
      %get3A_553 = tpu.vector_load %arg7[%get3A_551, %get3A_552] {strides = array<i32>} : memref<100x16xf32, #tpu.memory_space<vmem>>, vector<1x16xf32>,
      %get3A_554 = vector.shape_cast %get3A_553 : vector<1x16xf32> to vector<16xf32>
      %add3A_555 = arith.addf %add3A_549, %get3A_554 : vector<16xf32>
      %get3A_556 = arith.constant 83 : i32
      %get3A_557 = arith.index_cast %get3A_556 : i32 to index
      %get3A_558 = arith.constant 0 : index
      %get3A_559 = tpu.vector_load %arg7[%get3A_557, %get3A_558] {strides = array<i32>} : memref<100x16xf32, #tpu.memory_space<vmem>>, vector<1x16xf32>,
      %get3A_560 = vector.shape_cast %get3A_559 : vector<1x16xf32> to vector<16xf32>
      %add3A_561 = arith.addf %add3A_555, %get3A_560 : vector<16xf32>
      %get3A_562 = arith.constant 84 : i32
      %get3A_563 = arith.index_cast %get3A_562 : i32 to index
      %get3A_564 = arith.constant 0 : index
      %get3A_565 = tpu.vector_load %arg7[%get3A_563, %get3A_564] {strides = array<i32>} : memref<100x16xf32, #tpu.memory_space<vmem>>, vector<1x16xf32>,
      %get3A_566 = vector.shape_cast %get3A_565 : vector<1x16xf32> to vector<16xf32>
      %add3A_567 = arith.addf %add3A_561, %get3A_566 : vector<16xf32>
      %get3A_568 = arith.constant 85 : i32
      %get3A_569 = arith.index_cast %get3A_568 : i32 to index
      %get3A_570 = arith.constant 0 : index
      %get3A_571 = tpu.vector_load %arg7[%get3A_569, %get3A_570] {strides = array<i32>} : memref<100x16xf32, #tpu.memory_space<vmem>>, vector<1x16xf32>,
      %get3A_572 = vector.shape_cast %get3A_571 : vector<1x16xf32> to vector<16xf32>
      %add3A_573 = arith.addf %add3A_567, %get3A_572 : vector<16xf32>
      %get3A_574 = arith.constant 86 : i32
      %get3A_575 = arith.index_cast %get3A_574 : i32 to index
      %get3A_576 = arith.constant 0 : index
      %get3A_577 = tpu.vector_load %arg7[%get3A_575, %get3A_576] {strides = array<i32>} : memref<100x16xf32, #tpu.memory_space<vmem>>, vector<1x16xf32>,
      %get3A_578 = vector.shape_cast %get3A_577 : vector<1x16xf32> to vector<16xf32>
      %add3A_579 = arith.addf %add3A_573, %get3A_578 : vector<16xf32>
      %get3A_580 = arith.constant 87 : i32
      %get3A_581 = arith.index_cast %get3A_580 : i32 to index
      %get3A_582 = arith.constant 0 : index
      %get3A_583 = tpu.vector_load %arg7[%get3A_581, %get3A_582] {strides = array<i32>} : memref<100x16xf32, #tpu.memory_space<vmem>>, vector<1x16xf32>,
      %get3A_584 = vector.shape_cast %get3A_583 : vector<1x16xf32> to vector<16xf32>
      %add3A_585 = arith.addf %add3A_579, %get3A_584 : vector<16xf32>
      %get3A_586 = arith.constant 88 : i32
      %get3A_587 = arith.index_cast %get3A_586 : i32 to index
      %get3A_588 = arith.constant 0 : index
      %get3A_589 = tpu.vector_load %arg7[%get3A_587, %get3A_588] {strides = array<i32>} : memref<100x16xf32, #tpu.memory_space<vmem>>, vector<1x16xf32>,
      %get3A_590 = vector.shape_cast %get3A_589 : vector<1x16xf32> to vector<16xf32>
      %add3A_591 = arith.addf %add3A_585, %get3A_590 : vector<16xf32>
      %get3A_592 = arith.constant 89 : i32
      %get3A_593 = arith.index_cast %get3A_592 : i32 to index
      %get3A_594 = arith.constant 0 : index
      %get3A_595 = tpu.vector_load %arg7[%get3A_593, %get3A_594] {strides = array<i32>} : memref<100x16xf32, #tpu.memory_space<vmem>>, vector<1x16xf32>,
      %get3A_596 = vector.shape_cast %get3A_595 : vector<1x16xf32> to vector<16xf32>
      %add3A_597 = arith.addf %add3A_591, %get3A_596 : vector<16xf32>
      %get3A_598 = arith.constant 90 : i32
      %get3A_599 = arith.index_cast %get3A_598 : i32 to index
      %get3A_600 = arith.constant 0 : index
      %get3A_601 = tpu.vector_load %arg7[%get3A_599, %get3A_600] {strides = array<i32>} : memref<100x16xf32, #tpu.memory_space<vmem>>, vector<1x16xf32>,
      %get3A_602 = vector.shape_cast %get3A_601 : vector<1x16xf32> to vector<16xf32>
      %add3A_603 = arith.addf %add3A_597, %get3A_602 : vector<16xf32>
      %get3A_604 = arith.constant 91 : i32
      %get3A_605 = arith.index_cast %get3A_604 : i32 to index
      %get3A_606 = arith.constant 0 : index
      %get3A_607 = tpu.vector_load %arg7[%get3A_605, %get3A_606] {strides = array<i32>} : memref<100x16xf32, #tpu.memory_space<vmem>>, vector<1x16xf32>,
      %get3A_608 = vector.shape_cast %get3A_607 : vector<1x16xf32> to vector<16xf32>
      %add3A_609 = arith.addf %add3A_603, %get3A_608 : vector<16xf32>
      %get3A_610 = arith.constant 92 : i32
      %get3A_611 = arith.index_cast %get3A_610 : i32 to index
      %get3A_612 = arith.constant 0 : index
      %get3A_613 = tpu.vector_load %arg7[%get3A_611, %get3A_612] {strides = array<i32>} : memref<100x16xf32, #tpu.memory_space<vmem>>, vector<1x16xf32>,
      %get3A_614 = vector.shape_cast %get3A_613 : vector<1x16xf32> to vector<16xf32>
      %add3A_615 = arith.addf %add3A_609, %get3A_614 : vector<16xf32>
      %get3A_616 = arith.constant 93 : i32
      %get3A_617 = arith.index_cast %get3A_616 : i32 to index
      %get3A_618 = arith.constant 0 : index
      %get3A_619 = tpu.vector_load %arg7[%get3A_617, %get3A_618] {strides = array<i32>} : memref<100x16xf32, #tpu.memory_space<vmem>>, vector<1x16xf32>,
      %get3A_620 = vector.shape_cast %get3A_619 : vector<1x16xf32> to vector<16xf32>
      %add3A_621 = arith.addf %add3A_615, %get3A_620 : vector<16xf32>
      %get3A_622 = arith.constant 94 : i32
      %get3A_623 = arith.index_cast %get3A_622 : i32 to index
      %get3A_624 = arith.constant 0 : index
      %get3A_625 = tpu.vector_load %arg7[%get3A_623, %get3A_624] {strides = array<i32>} : memref<100x16xf32, #tpu.memory_space<vmem>>, vector<1x16xf32>,
      %get3A_626 = vector.shape_cast %get3A_625 : vector<1x16xf32> to vector<16xf32>
      %add3A_627 = arith.addf %add3A_621, %get3A_626 : vector<16xf32>
      %get3A_628 = arith.constant 95 : i32
      %get3A_629 = arith.index_cast %get3A_628 : i32 to index
      %get3A_630 = arith.constant 0 : index
      %get3A_631 = tpu.vector_load %arg7[%get3A_629, %get3A_630] {strides = array<i32>} : memref<100x16xf32, #tpu.memory_space<vmem>>, vector<1x16xf32>,
      %get3A_632 = vector.shape_cast %get3A_631 : vector<1x16xf32> to vector<16xf32>
      %add3A_633 = arith.addf %add3A_627, %get3A_632 : vector<16xf32>
      %get3A_634 = arith.constant 96 : i32
      %get3A_635 = arith.index_cast %get3A_634 : i32 to index
      %get3A_636 = arith.constant 0 : index
      %get3A_637 = tpu.vector_load %arg7[%get3A_635, %get3A_636] {strides = array<i32>} : memref<100x16xf32, #tpu.memory_space<vmem>>, vector<1x16xf32>,
      %get3A_638 = vector.shape_cast %get3A_637 : vector<1x16xf32> to vector<16xf32>
      %add3A_639 = arith.addf %add3A_633, %get3A_638 : vector<16xf32>
      %get3A_640 = arith.constant 97 : i32
      %get3A_641 = arith.index_cast %get3A_640 : i32 to index
      %get3A_642 = arith.constant 0 : index
      %get3A_643 = tpu.vector_load %arg7[%get3A_641, %get3A_642] {strides = array<i32>} : memref<100x16xf32, #tpu.memory_space<vmem>>, vector<1x16xf32>,
      %get3A_644 = vector.shape_cast %get3A_643 : vector<1x16xf32> to vector<16xf32>
      %add3A_645 = arith.addf %add3A_639, %get3A_644 : vector<16xf32>
      %get3A_646 = arith.constant 98 : i32
      %get3A_647 = arith.index_cast %get3A_646 : i32 to index
      %get3A_648 = arith.constant 0 : index
      %get3A_649 = tpu.vector_load %arg7[%get3A_647, %get3A_648] {strides = array<i32>} : memref<100x16xf32, #tpu.memory_space<vmem>>, vector<1x16xf32>,
      %get3A_650 = vector.shape_cast %get3A_649 : vector<1x16xf32> to vector<16xf32>
      %add3A_651 = arith.addf %add3A_645, %get3A_650 : vector<16xf32>
      %get3A_652 = arith.constant 99 : i32
      %get3A_653 = arith.index_cast %get3A_652 : i32 to index
      %get3A_654 = arith.constant 0 : index
      %get3A_655 = tpu.vector_load %arg7[%get3A_653, %get3A_654] {strides = array<i32>} : memref<100x16xf32, #tpu.memory_space<vmem>>, vector<1x16xf32>,
      %get3A_656 = vector.shape_cast %get3A_655 : vector<1x16xf32> to vector<16xf32>
      %add3A_657 = arith.addf %add3A_651, %get3A_656 : vector<16xf32>
      %mul3A_658 = arith.constant 5.000000e-02 : f32
      %mul3A_659 = vector.broadcast %mul3A_658 : f32 to vector<16xf32>
      %mul3A_660 = arith.mulf %add3A_657, %mul3A_659 : vector<16xf32>
      %mul3A_661 = arith.constant 5 : i32
      %mul3A_662 = arith.muli %scan3A_6, %mul3A_661 : i32
      %add3A_663 = arith.constant 4 : i32
      %add3A_664 = arith.addi %mul3A_662, %add3A_663 : i32
      %swap3A_665 = arith.index_cast %add3A_664 : i32 to index
      %swap3A_666 = arith.constant 0 : index
      %swap3A_667 = tpu.vector_load %arg6[%swap3A_665, %swap3A_666] {strides = array<i32>} : memref<2560x16xf32, #tpu.memory_space<vmem>>, vector<1x16xf32>,
      %swap3A_668 = vector.shape_cast %swap3A_667 : vector<1x16xf32> to vector<16xf32>
      %swap3A_669 = vector.shape_cast %mul3A_660 : vector<16xf32> to vector<1x16xf32>
      tpu.vector_store %arg6[%swap3A_665, %swap3A_666], %swap3A_669 {strides = array<i32>} : memref<2560x16xf32, #tpu.memory_space<vmem>>, vector<1x16xf32>,
    }
    %scan3A_5 = arith.constant 512 : i32
    "tpu.region"() ({
      %run_scoped3A = tpu.sem_alloc : memref<!tpu.dma_semaphore, #tpu.memory_space<semaphore_mem>>
      %dma_start3A = arith.constant 0 : i32
      %dma_start3A_6 = arith.constant 0 : i32
      %dma_start3A_7 = tpu.memref_slice %arg4[%add3A, %dma_start3A, %dma_start3A_6] : memref<32x2560x16xf32, #tpu.memory_space<hbm>> -> memref<1x2560x16xf32, #tpu.memory_space<hbm>>
      %dma_start3A_8 = tpu.memref_squeeze %dma_start3A_7 : memref<1x2560x16xf32, #tpu.memory_space<hbm>> -> memref<2560x16xf32, #tpu.memory_space<hbm>>
      %dma_start3A_9 = arith.constant 0 : i32
      %dma_start3A_10 = arith.constant 0 : i32
      %dma_start3A_11 = tpu.memref_slice %arg4[%add3A, %dma_start3A_9, %dma_start3A_10] : memref<32x2560x16xf32, #tpu.memory_space<hbm>> -> memref<1x2560x16xf32, #tpu.memory_space<hbm>>
      %dma_start3A_12 = tpu.memref_squeeze %dma_start3A_11 : memref<1x2560x16xf32, #tpu.memory_space<hbm>> -> memref<2560x16xf32, #tpu.memory_space<hbm>>
      tpu.enqueue_dma source(%arg6 : memref<2560x16xf32, #tpu.memory_space<vmem>>) target(%dma_start3A_12 : memref<2560x16xf32, #tpu.memory_space<hbm>>) target_semaphore(%run_scoped3A : memref<!tpu.dma_semaphore, #tpu.memory_space<semaphore_mem>>)
      %dma_wait3A = arith.constant 0 : i32
      %dma_wait3A_13 = arith.constant 0 : i32
      %dma_wait3A_14 = tpu.memref_slice %arg4[%add3A, %dma_wait3A, %dma_wait3A_13] : memref<32x2560x16xf32, #tpu.memory_space<hbm>> -> memref<1x2560x16xf32, #tpu.memory_space<hbm>>
      %dma_wait3A_15 = tpu.memref_squeeze %dma_wait3A_14 : memref<1x2560x16xf32, #tpu.memory_space<hbm>> -> memref<2560x16xf32, #tpu.memory_space<hbm>>
      %dma_wait3A_16 = arith.constant 0 : i32
      %dma_wait3A_17 = arith.constant 0 : i32
      %dma_wait3A_18 = tpu.memref_slice %arg4[%add3A, %dma_wait3A_16, %dma_wait3A_17] : memref<32x2560x16xf32, #tpu.memory_space<hbm>> -> memref<1x2560x16xf32, #tpu.memory_space<hbm>>
      %dma_wait3A_19 = tpu.memref_squeeze %dma_wait3A_18 : memref<1x2560x16xf32, #tpu.memory_space<hbm>> -> memref<2560x16xf32, #tpu.memory_space<hbm>>
      tpu.wait_dma2 semaphore(%run_scoped3A : memref<!tpu.dma_semaphore, #tpu.memory_space<semaphore_mem>>) src(%arg6 : memref<2560x16xf32, #tpu.memory_space<vmem>>) dst(%dma_wait3A_19 : memref<2560x16xf32, #tpu.memory_space<hbm>>)
      tpu.yield
    }) : () -> ()
    return
  }
}

</mosaic_0001>

<sc_bundles>
// kernel: kernel.3.cloned.1.call-start
scs
__scs_entry_jumppad:
0x0: {  	(pc) =	sbr.rel $0x88, $3  }
0x1: {  	(tag) =	ssettag $0x0;
	lr =	simm.s32 $0x1  }
0x2: {  	[smem:$0x3F9D] =	sst lr;
	_ =	strace $0xD0000000  }
0x3: {  	_ = 	snop  }
0x4: {  	_ = 	snop  }
0x5: {  	_ = 	snop  }
0x6: {  	_ = 	snop  }
0x7: {  	_ = 	snop  }
__scs_overlays_trampoline_lowered:
0x8: {  	[smem:$0x3FAC] =	sst s0  }
0x9: {  	[smem:$0x3FAD] =	sst s1  }
0xa: {  	[smem:$0x3FAE] =	sst s2  }
0xb: {  	[smem:$0x3FAF] =	sst s3  }
0xc: {  	[smem:$0x3FB0] =	sst s4  }
0xd: {  	[smem:$0x3FB1] =	sst s5  }
0xe: {  	[smem:$0x3FB2] =	sst s6  }
0xf: {  	[smem:$0x3FB3] =	sst s7  }
0x10: {  	[smem:$0x3FB4] =	sst s8  }
0x11: {  	[smem:$0x3FB5] =	sst s9;
	s0 =	simm.s32 @!p0 $0x0  }
0x12: {  	s1 =	sld [smem:$0x3F9B];
	s0 =	simm.s32 @p0 $0x1  }
0x13: {  	[smem:$0x3FB6] =	sst s0;
	s0 =	simm.s32 @!p1 $0x0  }
0x14: {  	s2 =	sld [smem:$0x3F9A];
	s0 =	simm.s32 @p1 $0x1  }
0x15: {  	[smem:$0x3FB7] =	sst s0;
	s0 =	simm.s32 @!p2 $0x0  }
0x16: {  	s3 =	sld [smem:$0x3FDB];
	s0 =	simm.s32 @p2 $0x1  }
0x17: {  	s4 =	simm.s32 $0x1BF5;
	[smem:$0x3FB9] =	sst s0  }
0x18: {  	s0 =	sld [smem:$0x3F9C];
	_ =	swait.ge [sflag:s4], $0x0  }
0x19: {  	s7 =	sld [smem:$0x3F9D]  }
0x1a: {  	s8 =	sadd.s32 $0xFFFFE003, lr  }
0x1b: {  	s9 =	sadd.s32 $0xFFFFFEF7, lr;
	s5 =	simm.s32 $0xFFFFFFFF;
	p2 =	slt.u32 s8, $0xFFFFF086  }
0x1c: {  	p1 =	slt.u32 s9, $0xF7A;
	s5 =	simm.s32 @!p2 $0x0  }
0x1d: {  	s5 =	simm.s32 @p1 $0x1;
	p0 =	seq.s32 s7, s2  }
0x1e: {  	s7 =	smul.u32 @!p0 $0xF7A, s2;
	p2 =	seq.s32 @!p0 s5, $0x0  }
0x1f: {  	s9 =	smul.u32 $0xF7A, s1;
	s8 =	simm.s32 @!p0 $0x1BF5;
	p2 =	por !p2, p0  }
0x20: {  	[sflag:s8] =	ssyncset.s32 @!p0 $0xFFFFF086;
	s6 =	sadd.s32 @!p0 s3, s7;
	s7 =	simm.s32 @!p0 $0x108  }
0x21: {  	s3 =	sadd.s32 s3, s9;
	s6 =	sadd.s32 @!p0 $0x88, s6;
	s7 =	simm.s32 @p2 $0x1082  }
0x22: {  	[simem:s7], [sflag:s8] =	dma.local @!p0 [hbm:s6], $0xF7A  }
0x23: {  	s9 =	sor.u32 $0xD0000000, s2;
	s6 =	simm.s32 $0x108;
	_ =	swait.ge @!p0 [sflag:s8], $0x0  }
0x24: {  	s3 =	sadd.s32 $0x88, s3;
	s6 =	simm.s32 @!p1 $0x1082;
	[sflag:s4] =	ssyncset.s32 $0xFFFFF086  }
0x25: {  	[simem:s6], [sflag:s4] =	dma.local [hbm:s3], $0xF7A  }
0x26: {  	[smem:$0x3F9D] =	sst s1;
	(tag) =	ssettag s2;
	_ =	strace s9  }
0x27: {  	s1 =	sld [smem:$0x3FAD]  }
0x28: {  	s2 =	sld [smem:$0x3FAE]  }
0x29: {  	s4 =	sld [smem:$0x3FB0]  }
0x2a: {  	p0 =	seq.s32 s5, $0x0;
	s5 =	sld [smem:$0x3FB1]  }
0x2b: {  	s6 =	sld [smem:$0x3FB2]  }
0x2c: {  	s7 =	sld [smem:$0x3FB3]  }
0x2d: {  	s3 =	simm.s32 $0x108;
	s8 =	sld [smem:$0x3FB4]  }
0x2e: {  	s3 =	simm.s32 @!p0 $0x1082;
	s9 =	sld [smem:$0x3FB5]  }
0x2f: {  	lr =	sadd.s32 s0, s3;
	s0 =	sld [smem:$0x3FAC]  }
0x30: {  	s3 =	sld [smem:$0x3FAF]  }
0x31: {  	[smem:$0x3FB8] =	sst s10  }
0x32: {  	s10 =	sld [smem:$0x3FB6];
	_ =	sdelay $0x3  }
0x33: {  	p0 =	seq.s32 s10, $0x1;
	s10 =	sld [smem:$0x3FB8];
	_ =	sdelay $0x3  }
0x34: {  	[smem:$0x3FB8] =	sst s10  }
0x35: {  	s10 =	sld [smem:$0x3FB7];
	_ =	sdelay $0x3  }
0x36: {  	p1 =	seq.s32 s10, $0x1;
	s10 =	sld [smem:$0x3FB8];
	_ =	sdelay $0x3  }
0x37: {  	[smem:$0x3FB8] =	sst s10  }
0x38: {  	s10 =	sld [smem:$0x3FB9]  }
0x39: {  	_ = 	snop;
	(pc) =	sbr.ind lr, $3  }
0x3a: {  	_ = 	snop  }
0x3b: {  	_ = 	snop  }
0x3c: {  	p2 =	seq.s32 s10, $0x1;
	s10 =	sld [smem:$0x3FB8]  }
0x3d: {  	_ =	shalt  }
0x3e: {  	_ =	shalt  }
0x3f: {  	_ =	shalt  }
0x40: {  	_ =	shalt  }
0x41: {  	_ =	shalt  }
0x42: {  	_ =	shalt  }
0x43: {  	_ =	shalt  }
0x44: {  	_ =	shalt  }
0x45: {  	_ =	shalt  }
0x46: {  	_ =	shalt  }
0x47: {  	_ =	shalt  }
0x48: {  	_ =	shalt  }
0x49: {  	_ =	shalt  }
0x4a: {  	_ =	shalt  }
0x4b: {  	_ =	shalt  }
0x4c: {  	_ =	shalt  }
0x4d: {  	_ =	shalt  }
0x4e: {  	_ =	shalt  }
0x4f: {  	_ =	shalt  }
0x50: {  	_ =	shalt  }
0x51: {  	_ =	shalt  }
0x52: {  	_ =	shalt  }
0x53: {  	_ =	shalt  }
0x54: {  	_ =	shalt  }
0x55: {  	_ =	shalt  }
0x56: {  	_ =	shalt  }
0x57: {  	_ =	shalt  }
0x58: {  	_ =	shalt  }
0x59: {  	_ =	shalt  }
0x5a: {  	_ =	shalt  }
0x5b: {  	_ =	shalt  }
0x5c: {  	_ =	shalt  }
0x5d: {  	_ =	shalt  }
0x5e: {  	_ =	shalt  }
0x5f: {  	_ =	shalt  }
0x60: {  	_ =	shalt  }
0x61: {  	_ =	shalt  }
0x62: {  	_ =	shalt  }
0x63: {  	_ =	shalt  }
0x64: {  	_ =	shalt  }
0x65: {  	_ =	shalt  }
0x66: {  	_ =	shalt  }
0x67: {  	_ =	shalt  }
0x68: {  	_ =	shalt  }
0x69: {  	_ =	shalt  }
0x6a: {  	_ =	shalt  }
0x6b: {  	_ =	shalt  }
0x6c: {  	_ =	shalt  }
0x6d: {  	_ =	shalt  }
0x6e: {  	_ =	shalt  }
0x6f: {  	_ =	shalt  }
0x70: {  	_ =	shalt  }
0x71: {  	_ =	shalt  }
0x72: {  	_ =	shalt  }
0x73: {  	_ =	shalt  }
0x74: {  	_ =	shalt  }
0x75: {  	_ =	shalt  }
0x76: {  	_ =	shalt  }
0x77: {  	_ =	shalt  }
0x78: {  	_ =	shalt  }
0x79: {  	_ =	shalt  }
0x7a: {  	_ =	shalt  }
0x7b: {  	_ =	shalt  }
0x7c: {  	_ =	shalt  }
0x7d: {  	_ =	shalt  }
0x7e: {  	_ =	shalt  }
0x7f: {  	_ =	shalt  }
0x80: {  	_ =	shalt  }
0x81: {  	_ =	shalt  }
0x82: {  	_ =	shalt  }
0x83: {  	_ =	shalt  }
0x84: {  	_ =	shalt  }
0x85: {  	_ =	shalt  }
0x86: {  	_ =	shalt  }
0x87: {  	_ =	shalt  }
.Lfunc_end0:
.L_simem_size_0:
called_computation_lowered:
.L_overlay_start_0:
0x88: {  	s2 =	sld [smem:$0x3FD9]  }
0x89: {  	s3 =	sld [smem:$0x3FFE];
	_ =	sdelay $0x1  }
0x8a: {  	s1 =	srdreg.scid  }
0x8b: {  	s0 =	sand.u32 $0x1, s1  }
0x8c: {  	s16 =	sshll.u32 s0, $0xA;
	s2 =	sadd.s32 s3, s2  }
0x8d: {  	s2 =	sadd.s32 s2, s16  }
0x8e: {  	[smem:$0x3FC4] =	sst s2  }
0x8f: {  	_ = 	snop  }
0x90: {  	(tm) =	ssettm $0x1  }
0x91: {  	s17 =	sld [smem:$0x3FFB];
	_ =	sdelay $0x3  }
0x92: {  	_ =	strace s17  }
0x93: {  	s2 =	sld [smem:$0x3FFC];
	_ =	sdelay $0x3  }
0x94: {  	_ =	strace s2  }
0x95: {  	s2 =	sld [smem:$0x3FFD];
	_ =	sdelay $0x3  }
0x96: {  	_ =	strace s2  }
0x97: {  	_ =	strace $0x8FFFFFFF  }
0x98: {  	s18 =	sld [smem:$0x3FDB];
	_ =	sdelay $0x1  }
0x99: {  	s19 =	simm.s32 $_scs_section_size  }
0x9a: {  	s4 =	simm.s32 $_size__tile_overlayer_lowered;
	s5 =	simm.s32 $_tile_overlayer_lowered  }
0x9b: {  	s22 =	simm.s32 $0x1BFF;
	s21 =	sshll.u32 s5, $0x1;
	s2 =	sadd.s32 s19, s18  }
0x9c: {  	s6 =	simm.s32 $0x0;
	s20 =	sshll.u32 s4, $0x1;
	s4 =	sadd.s32 s21, s2  }
0x9d: {  	[timem:s6], [sflag:s22] =	dma.local [hbm:s4], s20  }
0x9e: {  	_ =	swait.ge [sflag:s22], s20  }
0x9f: {  	s3 =	ssub.s32 $0x0, s20;
	[sflag:s22] =	ssyncset.done $0x0  }
0xa0: {  	[sflag:s22] =	ssyncadd.s32 s3;
	_ =	sdelay $0x1  }
0xa1: {  	s23 =	simm.s32 $0x1B8B  }
0xa2: {  	_ =	swait.ge [sflag:s23], $0x1  }
0xa3: {  	[sflag:s23] =	ssyncset.done $0x0  }
0xa4: {  	s25 =	simm.s32 $0x1B8E;
	s24 =	sld [smem:$0x3FFE];
	[sflag:s23] =	ssyncadd.s32 $0xFFFFFFFF  }
0xa5: {  	s26 =	simm.s32 $execute0_lowered;
	[smem:$0x3FD2] =	sst s25  }
0xa6: {  	s4 =	sshll.u32 s26, $0x1;
	_ =	strace $0x80000046;
	[dreg:$0x1] =	wrdreg $0xFFFFFFFF  }
0xa7: {  	s28 =	simm.s32 $_size_execute0_lowered;
	s2 =	sadd.s32 s2, s4;
	[dreg:$0x0] =	wrdreg $0x0  }
0xa8: {  	s4 =	sshll.u32 s28, $0x1;
	[dreg:$0x2] =	wrdreg s2  }
0xa9: {  	[dreg:$0x3] =	wrdreg s4  }
0xaa: {  	[dreg:$0x4] =	wrdreg $0xC0  }
0xab: {  	_ =	task [dreg:s6], $0x5FFFF  }
0xac: {  	[dreg:$0x1] =	wrdreg $0xFFFFFFFF  }
0xad: {  	[dreg:$0x0] =	wrdreg $0x60  }
0xae: {  	[dreg:$0x2] =	wrdreg s24  }
0xaf: {  	[dreg:$0x3] =	wrdreg $0x9  }
0xb0: {  	_ =	task.clear_ibuf [dreg:s6], $0x4FFFF;
	_ =	strace $0x90000046  }
0xb1: {  	s29 =	simm.s32 $0x9;
	_ =	strace $0x80000048  }
0xb2: {  	_ =	swait.ge [sflag:s29], $0x1  }
0xb3: {  	[sflag:s29] =	ssyncadd.s32 $0xFFFFFFFF  }
0xb4: {  	_ =	strace $0x90000048  }
0xb5: {  	_ =	sfence  }
0xb6: {  	s30 =	sld [smem:$0x0];
	_ =	sdelay $0x2  }
0xb7: {  	s31 =	sshll.u32 s1, $0xD;
	s1 =	sshrl.u32 s1, $0x2  }
0xb8: {  	s3 =	sand.u32 $0x4000, s31;
	s1 =	sadd.s32 s1, s30  }
0xb9: {  	s0 =	sor.u32 s3, s0;
	s1 =	sshll.u32 s1, $0x11  }
0xba: {  	s0 =	sor.u32 s1, s0  }
0xbb: {  	s0 =	sadd.s32 $0x8F2B, s0  }
0xbc: {  	[sflag:s0] =	ssyncadd.remote.s32 $0x1  }
0xbd: {  	_ =	sfence.sel $0xFFFF  }
0xbe: {  	[dreg:$0x0] =	wrdreg $0xFFFFFFFF;
	(pc) =	sbr.abs _section_cstart, $3  }
0xbf: {  	[dreg:$0x1] =	wrdreg $0xFFFFFFFF  }
0xc0: {  	_ =	task.clear_ibuf [dreg:s6], $0x2FFFF;
	_ =	strace $0x9FFFFFFF  }
0xc1: {  	(tm) =	ssettm $0x7FFFFFFF  }
tec
execute0_lowered:
.L_overlay_start_1:
0x0: {  	(tag) =	ssettag $0x1  }
0x1: {  	s1 =	srdreg.scid  }
0x2: {  	s0 =	stileid.u32;
	s4 =	rddreg [dreg:$0x0]  }
0x3: {  	s2 =	simm.s32 $0x0;
	s9 =	simm.s32 $0x17000;
	s10 =	simm.s32 $0x1  }
0x4: {  	s11 =	simm.s32 $0xD000;
	s3 =	sand.u32 $0x1, s1;
	s31 =	sshll.u32 s0, $0x1  }
0x5: {  	s12 =	simm.s32 $0x0;
	s1 =	rddreg [dreg:$0x1];
	s5 =	sor.u32 s3, s31  }
0x6: {  	[smem:$0x7FF] =	sst s2;
	s7 =	ssub.s32 $0x2, s3;
	s6 =	smul.u32 $0x1A00, s5  }
0x7: {  	_ =	strace $0x80000047;
	s5 =	smul.u32 $0x1400, s5;
	s8 =	sshrl.u32 s7, $0x1  }
0x8: {  	s3 =	sadd.s32 $0xF43000, s4;
	s7 =	ssub.s32 s7, s8;
	s6 =	sadd.s32 s6, s4  }
0x9: {  	s8 =	simm.s32 $0x64;
	s5 =	sadd.s32 s5, s4;
	s4 =	sadd.s32 $0xC00, s6  }
0xa: {  	s5 =	sadd.s32 $0x34C00, s5;
	s6 =	smax.u32 s7, $0x1;
	s7 =	simm.s32 $0x2  }
.LBB2_1:
0xb: {  	[tilespmem:s2], [sflag:$0x2] =	stream.linear.gather [hbm4b:s4+s2], $0xD000, $0x38;
	[tilespmem:$0x17640] =	vst v63  }
0xc: {  	_ =	swait.ge [sflag:s7], $0xD000  }
0xd: {  	[sflag:s7] =	ssyncset.done $0x0  }
0xe: {  	s13 =	simm.s32 $0x0;
	[sflag:s7] =	ssyncadd.s32 $0xFFFF3000  }
0xf: {  	[tilespmem:s9], [sflag:$0x1] =	stream.indirect.gather [hbm4b:s3+s8], $0x10, s13, s8, $0xb8;
	[tilespmem:$0x17640] =	vst v63  }
0x10: {  	_ =	swait.ge [sflag:s10], $0x640  }
0x11: {  	[sflag:s10] =	ssyncset.done $0x0  }
0x12: {  	[sflag:s10] =	ssyncadd.s32 $0xFFFFF9C0  }
0x13: {  	v0 =	vld [tilespmem:$0x17000]  }
0x14: {  	v1 =	vld [tilespmem:$0x17010];
	_ =	sdelay $0x1  }
0x15: {  	v2 =	vld [tilespmem:$0x17020];
	_ =	sdelay $0x1  }
0x16: {  	v3 =	vld [tilespmem:$0x17030]  }
0x17: {  	v0 =	vadd.f32 v1, v0  }
0x18: {  	v1 =	vld [tilespmem:$0x17040]  }
0x19: {  	v0 =	vadd.f32 v2, v0  }
0x1a: {  	v2 =	vld [tilespmem:$0x17050]  }
0x1b: {  	v0 =	vadd.f32 v3, v0  }
0x1c: {  	v3 =	vld [tilespmem:$0x17060]  }
0x1d: {  	v0 =	vadd.f32 v1, v0  }
0x1e: {  	v1 =	vld [tilespmem:$0x17070]  }
0x1f: {  	v0 =	vadd.f32 v2, v0  }
0x20: {  	v2 =	vld [tilespmem:$0x17080]  }
0x21: {  	v0 =	vadd.f32 v3, v0  }
0x22: {  	v3 =	vld [tilespmem:$0x17090]  }
0x23: {  	v0 =	vadd.f32 v1, v0  }
0x24: {  	v1 =	vld [tilespmem:$0x170A0]  }
0x25: {  	v0 =	vadd.f32 v2, v0  }
0x26: {  	v2 =	vld [tilespmem:$0x170B0]  }
0x27: {  	v0 =	vadd.f32 v3, v0  }
0x28: {  	v3 =	vld [tilespmem:$0x170C0]  }
0x29: {  	v0 =	vadd.f32 v1, v0  }
0x2a: {  	v1 =	vld [tilespmem:$0x170D0]  }
0x2b: {  	v0 =	vadd.f32 v2, v0  }
0x2c: {  	v2 =	vld [tilespmem:$0x170E0]  }
0x2d: {  	v0 =	vadd.f32 v3, v0  }
0x2e: {  	v3 =	vld [tilespmem:$0x170F0]  }
0x2f: {  	v0 =	vadd.f32 v1, v0  }
0x30: {  	v1 =	vld [tilespmem:$0x17100]  }
0x31: {  	v0 =	vadd.f32 v2, v0  }
0x32: {  	v2 =	vld [tilespmem:$0x17110]  }
0x33: {  	v0 =	vadd.f32 v3, v0  }
0x34: {  	v3 =	vld [tilespmem:$0x17120]  }
0x35: {  	v0 =	vadd.f32 v1, v0  }
0x36: {  	v1 =	vld [tilespmem:$0x17130]  }
0x37: {  	v0 =	vadd.f32 v2, v0;
	_ =	sdelay $0x1  }
0x38: {  	v0 =	vadd.f32 v3, v0;
	_ =	sdelay $0x1  }
0x39: {  	v0 =	vadd.f32 v1, v0;
	_ =	sdelay $0x1  }
0x3a: {  	v0 =	vmul.f32 $5.000000070e-02, v0  }
0x3b: {  	s13 =	simm.s32 $0xD020  }
0x3c: {  	[tilespmem:s13+$0xFFFFFFE0] =	vst v0  }
0x3d: {  	v0 =	vld [tilespmem:$0x17140]  }
0x3e: {  	v1 =	vld [tilespmem:$0x17150];
	_ =	sdelay $0x1  }
0x3f: {  	v2 =	vld [tilespmem:$0x17160];
	_ =	sdelay $0x1  }
0x40: {  	v3 =	vld [tilespmem:$0x17170]  }
0x41: {  	v0 =	vadd.f32 v1, v0  }
0x42: {  	v1 =	vld [tilespmem:$0x17180]  }
0x43: {  	v0 =	vadd.f32 v2, v0  }
0x44: {  	v2 =	vld [tilespmem:$0x17190]  }
0x45: {  	v0 =	vadd.f32 v3, v0  }
0x46: {  	v3 =	vld [tilespmem:$0x171A0]  }
0x47: {  	v0 =	vadd.f32 v1, v0  }
0x48: {  	v1 =	vld [tilespmem:$0x171B0]  }
0x49: {  	v0 =	vadd.f32 v2, v0  }
0x4a: {  	v2 =	vld [tilespmem:$0x171C0]  }
0x4b: {  	v0 =	vadd.f32 v3, v0  }
0x4c: {  	v3 =	vld [tilespmem:$0x171D0]  }
0x4d: {  	v0 =	vadd.f32 v1, v0  }
0x4e: {  	v1 =	vld [tilespmem:$0x171E0]  }
0x4f: {  	v0 =	vadd.f32 v2, v0  }
0x50: {  	v2 =	vld [tilespmem:$0x171F0]  }
0x51: {  	v0 =	vadd.f32 v3, v0  }
0x52: {  	v3 =	vld [tilespmem:$0x17200]  }
0x53: {  	v0 =	vadd.f32 v1, v0  }
0x54: {  	v1 =	vld [tilespmem:$0x17210]  }
0x55: {  	v0 =	vadd.f32 v2, v0  }
0x56: {  	v2 =	vld [tilespmem:$0x17220]  }
0x57: {  	v0 =	vadd.f32 v3, v0  }
0x58: {  	v3 =	vld [tilespmem:$0x17230]  }
0x59: {  	v0 =	vadd.f32 v1, v0  }
0x5a: {  	v1 =	vld [tilespmem:$0x17240]  }
0x5b: {  	v0 =	vadd.f32 v2, v0  }
0x5c: {  	v2 =	vld [tilespmem:$0x17250]  }
0x5d: {  	v0 =	vadd.f32 v3, v0  }
0x5e: {  	v3 =	vld [tilespmem:$0x17260]  }
0x5f: {  	v0 =	vadd.f32 v1, v0  }
0x60: {  	v1 =	vld [tilespmem:$0x17270]  }
0x61: {  	v0 =	vadd.f32 v2, v0;
	_ =	sdelay $0x1  }
0x62: {  	v0 =	vadd.f32 v3, v0;
	_ =	sdelay $0x1  }
0x63: {  	v0 =	vadd.f32 v1, v0;
	_ =	sdelay $0x1  }
0x64: {  	v0 =	vmul.f32 $5.000000070e-02, v0;
	_ =	sdelay $0x1  }
0x65: {  	[tilespmem:s13+$0xFFFFFFF0] =	vst v0  }
0x66: {  	v0 =	vld [tilespmem:$0x17280]  }
0x67: {  	v1 =	vld [tilespmem:$0x17290];
	_ =	sdelay $0x1  }
0x68: {  	v2 =	vld [tilespmem:$0x172A0];
	_ =	sdelay $0x1  }
0x69: {  	v3 =	vld [tilespmem:$0x172B0]  }
0x6a: {  	v0 =	vadd.f32 v1, v0  }
0x6b: {  	v1 =	vld [tilespmem:$0x172C0]  }
0x6c: {  	v0 =	vadd.f32 v2, v0  }
0x6d: {  	v2 =	vld [tilespmem:$0x172D0]  }
0x6e: {  	v0 =	vadd.f32 v3, v0  }
0x6f: {  	v3 =	vld [tilespmem:$0x172E0]  }
0x70: {  	v0 =	vadd.f32 v1, v0  }
0x71: {  	v1 =	vld [tilespmem:$0x172F0]  }
0x72: {  	v0 =	vadd.f32 v2, v0  }
0x73: {  	v2 =	vld [tilespmem:$0x17300]  }
0x74: {  	v0 =	vadd.f32 v3, v0  }
0x75: {  	v3 =	vld [tilespmem:$0x17310]  }
0x76: {  	v0 =	vadd.f32 v1, v0  }
0x77: {  	v1 =	vld [tilespmem:$0x17320]  }
0x78: {  	v0 =	vadd.f32 v2, v0  }
0x79: {  	v2 =	vld [tilespmem:$0x17330]  }
0x7a: {  	v0 =	vadd.f32 v3, v0  }
0x7b: {  	v3 =	vld [tilespmem:$0x17340]  }
0x7c: {  	v0 =	vadd.f32 v1, v0  }
0x7d: {  	v1 =	vld [tilespmem:$0x17350]  }
0x7e: {  	v0 =	vadd.f32 v2, v0  }
0x7f: {  	v2 =	vld [tilespmem:$0x17360]  }
0x80: {  	v0 =	vadd.f32 v3, v0  }
0x81: {  	v3 =	vld [tilespmem:$0x17370]  }
0x82: {  	v0 =	vadd.f32 v1, v0  }
0x83: {  	v1 =	vld [tilespmem:$0x17380]  }
0x84: {  	v0 =	vadd.f32 v2, v0  }
0x85: {  	v2 =	vld [tilespmem:$0x17390]  }
0x86: {  	v0 =	vadd.f32 v3, v0  }
0x87: {  	v3 =	vld [tilespmem:$0x173A0]  }
0x88: {  	v0 =	vadd.f32 v1, v0  }
0x89: {  	v1 =	vld [tilespmem:$0x173B0]  }
0x8a: {  	v0 =	vadd.f32 v2, v0;
	_ =	sdelay $0x1  }
0x8b: {  	v0 =	vadd.f32 v3, v0;
	_ =	sdelay $0x1  }
0x8c: {  	v0 =	vadd.f32 v1, v0;
	_ =	sdelay $0x1  }
0x8d: {  	v0 =	vmul.f32 $5.000000070e-02, v0;
	_ =	sdelay $0x1  }
0x8e: {  	[tilespmem:s13+$0x0] =	vst v0  }
0x8f: {  	v0 =	vld [tilespmem:$0x173C0]  }
0x90: {  	v1 =	vld [tilespmem:$0x173D0];
	_ =	sdelay $0x1  }
0x91: {  	v2 =	vld [tilespmem:$0x173E0];
	_ =	sdelay $0x1  }
0x92: {  	v3 =	vld [tilespmem:$0x173F0]  }
0x93: {  	v0 =	vadd.f32 v1, v0  }
0x94: {  	v1 =	vld [tilespmem:$0x17400]  }
0x95: {  	v0 =	vadd.f32 v2, v0  }
0x96: {  	v2 =	vld [tilespmem:$0x17410]  }
0x97: {  	v0 =	vadd.f32 v3, v0  }
0x98: {  	v3 =	vld [tilespmem:$0x17420]  }
0x99: {  	v0 =	vadd.f32 v1, v0  }
0x9a: {  	v1 =	vld [tilespmem:$0x17430]  }
0x9b: {  	v0 =	vadd.f32 v2, v0  }
0x9c: {  	v2 =	vld [tilespmem:$0x17440]  }
0x9d: {  	v0 =	vadd.f32 v3, v0  }
0x9e: {  	v3 =	vld [tilespmem:$0x17450]  }
0x9f: {  	v0 =	vadd.f32 v1, v0  }
0xa0: {  	v1 =	vld [tilespmem:$0x17460]  }
0xa1: {  	v0 =	vadd.f32 v2, v0  }
0xa2: {  	v2 =	vld [tilespmem:$0x17470]  }
0xa3: {  	v0 =	vadd.f32 v3, v0  }
0xa4: {  	v3 =	vld [tilespmem:$0x17480]  }
0xa5: {  	v0 =	vadd.f32 v1, v0  }
0xa6: {  	v1 =	vld [tilespmem:$0x17490]  }
0xa7: {  	v0 =	vadd.f32 v2, v0  }
0xa8: {  	v2 =	vld [tilespmem:$0x174A0]  }
0xa9: {  	v0 =	vadd.f32 v3, v0  }
0xaa: {  	v3 =	vld [tilespmem:$0x174B0]  }
0xab: {  	v0 =	vadd.f32 v1, v0  }
0xac: {  	v1 =	vld [tilespmem:$0x174C0]  }
0xad: {  	v0 =	vadd.f32 v2, v0  }
0xae: {  	v2 =	vld [tilespmem:$0x174D0]  }
0xaf: {  	v0 =	vadd.f32 v3, v0  }
0xb0: {  	v3 =	vld [tilespmem:$0x174E0]  }
0xb1: {  	v0 =	vadd.f32 v1, v0  }
0xb2: {  	v1 =	vld [tilespmem:$0x174F0]  }
0xb3: {  	v0 =	vadd.f32 v2, v0;
	_ =	sdelay $0x1  }
0xb4: {  	v0 =	vadd.f32 v3, v0;
	_ =	sdelay $0x1  }
0xb5: {  	v0 =	vadd.f32 v1, v0;
	_ =	sdelay $0x1  }
0xb6: {  	v0 =	vmul.f32 $5.000000070e-02, v0;
	_ =	sdelay $0x1  }
0xb7: {  	[tilespmem:s13+$0x10] =	vst v0  }
0xb8: {  	v0 =	vld [tilespmem:$0x17500]  }
0xb9: {  	v1 =	vld [tilespmem:$0x17510];
	_ =	sdelay $0x1  }
0xba: {  	v2 =	vld [tilespmem:$0x17520];
	_ =	sdelay $0x1  }
0xbb: {  	v3 =	vld [tilespmem:$0x17530]  }
0xbc: {  	v0 =	vadd.f32 v1, v0  }
0xbd: {  	v1 =	vld [tilespmem:$0x17540]  }
0xbe: {  	v0 =	vadd.f32 v2, v0  }
0xbf: {  	v2 =	vld [tilespmem:$0x17550]  }
0xc0: {  	v0 =	vadd.f32 v3, v0  }
0xc1: {  	v3 =	vld [tilespmem:$0x17560]  }
0xc2: {  	v0 =	vadd.f32 v1, v0  }
0xc3: {  	v1 =	vld [tilespmem:$0x17570]  }
0xc4: {  	v0 =	vadd.f32 v2, v0  }
0xc5: {  	v2 =	vld [tilespmem:$0x17580]  }
0xc6: {  	v0 =	vadd.f32 v3, v0  }
0xc7: {  	v3 =	vld [tilespmem:$0x17590]  }
0xc8: {  	v0 =	vadd.f32 v1, v0  }
0xc9: {  	v1 =	vld [tilespmem:$0x175A0]  }
0xca: {  	v0 =	vadd.f32 v2, v0  }
0xcb: {  	v2 =	vld [tilespmem:$0x175B0]  }
0xcc: {  	v0 =	vadd.f32 v3, v0  }
0xcd: {  	v3 =	vld [tilespmem:$0x175C0]  }
0xce: {  	v0 =	vadd.f32 v1, v0  }
0xcf: {  	v1 =	vld [tilespmem:$0x175D0]  }
0xd0: {  	v0 =	vadd.f32 v2, v0  }
0xd1: {  	v2 =	vld [tilespmem:$0x175E0]  }
0xd2: {  	v0 =	vadd.f32 v3, v0  }
0xd3: {  	v3 =	vld [tilespmem:$0x175F0]  }
0xd4: {  	v0 =	vadd.f32 v1, v0  }
0xd5: {  	v1 =	vld [tilespmem:$0x17600]  }
0xd6: {  	v0 =	vadd.f32 v2, v0;
	_ =	sdelay $0x1  }
0xd7: {  	v2 =	vld [tilespmem:$0x17610];
	v0 =	vadd.f32 v3, v0;
	_ =	sdelay $0x1  }
0xd8: {  	v3 =	vadd.f32 v1, v0;
	v1 =	vld [tilespmem:$0x17620];
	_ =	sdelay $0x1  }
0xd9: {  	v0 =	vld [tilespmem:$0x17630]  }
0xda: {  	s15 =	simm.s32 $0x1A0;
	s14 =	simm.s32 $0xD020;
	v2 =	vadd.f32 v2, v3  }
.LBB2_2:
0xdb: {  	p0 =	sne.s32 s15, $0x33E60  }
0xdc: {  	s13 =	sadd.s32 $0x50, s13;
	s16 =	smov.u32 s15;
	s15 =	sadd.s32 $0x1A0, s15;
	v1 =	vadd.f32 v1, v2  }
0xdd: {  	_ = 	snop  }
0xde: {  	v0 =	vadd.f32 v0, v1;
	_ =	sdelay $0x1  }
0xdf: {  	v0 =	vmul.f32 $5.000000070e-02, v0  }
0xe0: {  	s16 =	sshra.s32 s16, $0x2  }
0xe1: {  	[tilespmem:s14+$0x20] =	vst v0;
	s14 =	smov.u32 s13  }
0xe2: {  	[tilespmem:s9], [sflag:$0x1] =	stream.indirect.gather [hbm4b:s3+s8], $0x10, s16, s8, $0xb8;
	[tilespmem:$0x17640] =	vst v63  }
0xe3: {  	_ =	swait.ge [sflag:s10], $0x640  }
0xe4: {  	[sflag:s10] =	ssyncset.done $0x0  }
0xe5: {  	[sflag:s10] =	ssyncadd.s32 $0xFFFFF9C0  }
0xe6: {  	v0 =	vld [tilespmem:$0x17000]  }
0xe7: {  	v1 =	vld [tilespmem:$0x17010]  }
0xe8: {  	v2 =	vld [tilespmem:$0x17020];
	_ =	sdelay $0x2  }
0xe9: {  	v3 =	vld [tilespmem:$0x17030]  }
0xea: {  	v0 =	vadd.f32 v1, v0  }
0xeb: {  	v1 =	vld [tilespmem:$0x17040]  }
0xec: {  	v0 =	vadd.f32 v2, v0  }
0xed: {  	v2 =	vld [tilespmem:$0x17050]  }
0xee: {  	v0 =	vadd.f32 v3, v0  }
0xef: {  	v3 =	vld [tilespmem:$0x17060]  }
0xf0: {  	v0 =	vadd.f32 v1, v0  }
0xf1: {  	v1 =	vld [tilespmem:$0x17070]  }
0xf2: {  	v0 =	vadd.f32 v2, v0  }
0xf3: {  	v2 =	vld [tilespmem:$0x17080]  }
0xf4: {  	v0 =	vadd.f32 v3, v0  }
0xf5: {  	v3 =	vld [tilespmem:$0x17090]  }
0xf6: {  	v0 =	vadd.f32 v1, v0  }
0xf7: {  	v1 =	vld [tilespmem:$0x170A0]  }
0xf8: {  	v0 =	vadd.f32 v2, v0  }
0xf9: {  	v2 =	vld [tilespmem:$0x170B0]  }
0xfa: {  	v0 =	vadd.f32 v3, v0  }
0xfb: {  	v3 =	vld [tilespmem:$0x170C0]  }
0xfc: {  	v0 =	vadd.f32 v1, v0  }
0xfd: {  	v1 =	vld [tilespmem:$0x170D0]  }
0xfe: {  	v0 =	vadd.f32 v2, v0  }
0xff: {  	v2 =	vld [tilespmem:$0x170E0]  }
0x100: {  	v0 =	vadd.f32 v3, v0  }
0x101: {  	v3 =	vld [tilespmem:$0x170F0]  }
0x102: {  	v0 =	vadd.f32 v1, v0  }
0x103: {  	v1 =	vld [tilespmem:$0x17100]  }
0x104: {  	v0 =	vadd.f32 v2, v0  }
0x105: {  	v2 =	vld [tilespmem:$0x17110]  }
0x106: {  	v0 =	vadd.f32 v3, v0  }
0x107: {  	v3 =	vld [tilespmem:$0x17120]  }
0x108: {  	v0 =	vadd.f32 v1, v0  }
0x109: {  	v1 =	vld [tilespmem:$0x17130]  }
0x10a: {  	v0 =	vadd.f32 v2, v0;
	_ =	sdelay $0x1  }
0x10b: {  	v0 =	vadd.f32 v3, v0;
	_ =	sdelay $0x1  }
0x10c: {  	v0 =	vadd.f32 v1, v0;
	_ =	sdelay $0x1  }
0x10d: {  	v0 =	vmul.f32 $5.000000070e-02, v0;
	_ =	sdelay $0x1  }
0x10e: {  	[tilespmem:s13+$0xFFFFFFE0] =	vst v0  }
0x10f: {  	v0 =	vld [tilespmem:$0x17140]  }
0x110: {  	v1 =	vld [tilespmem:$0x17150]  }
0x111: {  	v2 =	vld [tilespmem:$0x17160];
	_ =	sdelay $0x2  }
0x112: {  	v3 =	vld [tilespmem:$0x17170]  }
0x113: {  	v0 =	vadd.f32 v1, v0  }
0x114: {  	v1 =	vld [tilespmem:$0x17180]  }
0x115: {  	v0 =	vadd.f32 v2, v0  }
0x116: {  	v2 =	vld [tilespmem:$0x17190]  }
0x117: {  	v0 =	vadd.f32 v3, v0  }
0x118: {  	v3 =	vld [tilespmem:$0x171A0]  }
0x119: {  	v0 =	vadd.f32 v1, v0  }
0x11a: {  	v1 =	vld [tilespmem:$0x171B0]  }
0x11b: {  	v0 =	vadd.f32 v2, v0  }
0x11c: {  	v2 =	vld [tilespmem:$0x171C0]  }
0x11d: {  	v0 =	vadd.f32 v3, v0  }
0x11e: {  	v3 =	vld [tilespmem:$0x171D0]  }
0x11f: {  	v0 =	vadd.f32 v1, v0  }
0x120: {  	v1 =	vld [tilespmem:$0x171E0]  }
0x121: {  	v0 =	vadd.f32 v2, v0  }
0x122: {  	v2 =	vld [tilespmem:$0x171F0]  }
0x123: {  	v0 =	vadd.f32 v3, v0  }
0x124: {  	v3 =	vld [tilespmem:$0x17200]  }
0x125: {  	v0 =	vadd.f32 v1, v0  }
0x126: {  	v1 =	vld [tilespmem:$0x17210]  }
0x127: {  	v0 =	vadd.f32 v2, v0  }
0x128: {  	v2 =	vld [tilespmem:$0x17220]  }
0x129: {  	v0 =	vadd.f32 v3, v0  }
0x12a: {  	v3 =	vld [tilespmem:$0x17230]  }
0x12b: {  	v0 =	vadd.f32 v1, v0  }
0x12c: {  	v1 =	vld [tilespmem:$0x17240]  }
0x12d: {  	v0 =	vadd.f32 v2, v0  }
0x12e: {  	v2 =	vld [tilespmem:$0x17250]  }
0x12f: {  	v0 =	vadd.f32 v3, v0  }
0x130: {  	v3 =	vld [tilespmem:$0x17260]  }
0x131: {  	v0 =	vadd.f32 v1, v0  }
0x132: {  	v1 =	vld [tilespmem:$0x17270]  }
0x133: {  	v0 =	vadd.f32 v2, v0;
	_ =	sdelay $0x1  }
0x134: {  	v0 =	vadd.f32 v3, v0;
	_ =	sdelay $0x1  }
0x135: {  	v0 =	vadd.f32 v1, v0;
	_ =	sdelay $0x1  }
0x136: {  	v0 =	vmul.f32 $5.000000070e-02, v0;
	_ =	sdelay $0x1  }
0x137: {  	[tilespmem:s13+$0xFFFFFFF0] =	vst v0  }
0x138: {  	v0 =	vld [tilespmem:$0x17280]  }
0x139: {  	v1 =	vld [tilespmem:$0x17290]  }
0x13a: {  	v2 =	vld [tilespmem:$0x172A0]  }
0x13b: {  	v3 =	vld [tilespmem:$0x172B0]  }
0x13c: {  	v4 =	vld [tilespmem:$0x172C0]  }
0x13d: {  	v5 =	vld [tilespmem:$0x172D0]  }
0x13e: {  	v0 =	vadd.f32 v1, v0;
	v1 =	vld [tilespmem:$0x172E0]  }
0x13f: {  	v6 =	vld [tilespmem:$0x172F0]  }
0x140: {  	v0 =	vadd.f32 v2, v0;
	v2 =	vld [tilespmem:$0x17300]  }
0x141: {  	v7 =	vld [tilespmem:$0x17310]  }
0x142: {  	v0 =	vadd.f32 v3, v0;
	v3 =	vld [tilespmem:$0x17320]  }
0x143: {  	v8 =	vld [tilespmem:$0x17330]  }
0x144: {  	v0 =	vadd.f32 v4, v0;
	v4 =	vld [tilespmem:$0x17340]  }
0x145: {  	v9 =	vld [tilespmem:$0x17350]  }
0x146: {  	v0 =	vadd.f32 v5, v0;
	v5 =	vld [tilespmem:$0x17360]  }
0x147: {  	v10 =	vld [tilespmem:$0x17370]  }
0x148: {  	v0 =	vadd.f32 v1, v0;
	v1 =	vld [tilespmem:$0x17380]  }
0x149: {  	v11 =	vld [tilespmem:$0x17390]  }
0x14a: {  	v0 =	vadd.f32 v6, v0;
	v6 =	vld [tilespmem:$0x173A0]  }
0x14b: {  	v12 =	vld [tilespmem:$0x173B0]  }
0x14c: {  	v0 =	vadd.f32 v2, v0;
	_ =	sdelay $0x1  }
0x14d: {  	v0 =	vadd.f32 v7, v0;
	_ =	sdelay $0x1  }
0x14e: {  	v0 =	vadd.f32 v3, v0;
	_ =	sdelay $0x1  }
0x14f: {  	v0 =	vadd.f32 v8, v0;
	_ =	sdelay $0x1  }
0x150: {  	v0 =	vadd.f32 v4, v0;
	_ =	sdelay $0x1  }
0x151: {  	v0 =	vadd.f32 v9, v0;
	_ =	sdelay $0x1  }
0x152: {  	v0 =	vadd.f32 v5, v0;
	_ =	sdelay $0x1  }
0x153: {  	v0 =	vadd.f32 v10, v0;
	_ =	sdelay $0x1  }
0x154: {  	v0 =	vadd.f32 v1, v0;
	_ =	sdelay $0x1  }
0x155: {  	v0 =	vadd.f32 v11, v0;
	_ =	sdelay $0x1  }
0x156: {  	v0 =	vadd.f32 v6, v0;
	_ =	sdelay $0x1  }
0x157: {  	v0 =	vadd.f32 v12, v0;
	_ =	sdelay $0x1  }
0x158: {  	v0 =	vmul.f32 $5.000000070e-02, v0;
	_ =	sdelay $0x1  }
0x159: {  	[tilespmem:s13+$0x0] =	vst v0  }
0x15a: {  	v0 =	vld [tilespmem:$0x173C0]  }
0x15b: {  	v1 =	vld [tilespmem:$0x173D0]  }
0x15c: {  	v2 =	vld [tilespmem:$0x173E0]  }
0x15d: {  	v3 =	vld [tilespmem:$0x173F0]  }
0x15e: {  	v4 =	vld [tilespmem:$0x17400]  }
0x15f: {  	v5 =	vld [tilespmem:$0x17410]  }
0x160: {  	v0 =	vadd.f32 v1, v0;
	v1 =	vld [tilespmem:$0x17420]  }
0x161: {  	v6 =	vld [tilespmem:$0x17430]  }
0x162: {  	v0 =	vadd.f32 v2, v0;
	v2 =	vld [tilespmem:$0x17440]  }
0x163: {  	v7 =	vld [tilespmem:$0x17450]  }
0x164: {  	v0 =	vadd.f32 v3, v0;
	v3 =	vld [tilespmem:$0x17460]  }
0x165: {  	v8 =	vld [tilespmem:$0x17470]  }
0x166: {  	v0 =	vadd.f32 v4, v0;
	v4 =	vld [tilespmem:$0x17480]  }
0x167: {  	v9 =	vld [tilespmem:$0x17490]  }
0x168: {  	v0 =	vadd.f32 v5, v0;
	v5 =	vld [tilespmem:$0x174A0]  }
0x169: {  	v10 =	vld [tilespmem:$0x174B0]  }
0x16a: {  	v0 =	vadd.f32 v1, v0;
	v1 =	vld [tilespmem:$0x174C0]  }
0x16b: {  	v11 =	vld [tilespmem:$0x174D0]  }
0x16c: {  	v0 =	vadd.f32 v6, v0;
	v6 =	vld [tilespmem:$0x174E0]  }
0x16d: {  	v12 =	vld [tilespmem:$0x174F0]  }
0x16e: {  	v0 =	vadd.f32 v2, v0;
	_ =	sdelay $0x1  }
0x16f: {  	v0 =	vadd.f32 v7, v0;
	_ =	sdelay $0x1  }
0x170: {  	v0 =	vadd.f32 v3, v0;
	_ =	sdelay $0x1  }
0x171: {  	v0 =	vadd.f32 v8, v0;
	_ =	sdelay $0x1  }
0x172: {  	v0 =	vadd.f32 v4, v0;
	_ =	sdelay $0x1  }
0x173: {  	v0 =	vadd.f32 v9, v0;
	_ =	sdelay $0x1  }
0x174: {  	v0 =	vadd.f32 v5, v0;
	_ =	sdelay $0x1  }
0x175: {  	v0 =	vadd.f32 v10, v0;
	_ =	sdelay $0x1  }
0x176: {  	v0 =	vadd.f32 v1, v0;
	_ =	sdelay $0x1  }
0x177: {  	v0 =	vadd.f32 v11, v0;
	_ =	sdelay $0x1  }
0x178: {  	v0 =	vadd.f32 v6, v0;
	_ =	sdelay $0x1  }
0x179: {  	v0 =	vadd.f32 v12, v0;
	_ =	sdelay $0x1  }
0x17a: {  	v0 =	vmul.f32 $5.000000070e-02, v0;
	_ =	sdelay $0x1  }
0x17b: {  	[tilespmem:s13+$0x10] =	vst v0  }
0x17c: {  	v0 =	vld [tilespmem:$0x17500]  }
0x17d: {  	v1 =	vld [tilespmem:$0x17510]  }
0x17e: {  	v2 =	vld [tilespmem:$0x17520]  }
0x17f: {  	v3 =	vld [tilespmem:$0x17530]  }
0x180: {  	v4 =	vld [tilespmem:$0x17540]  }
0x181: {  	v5 =	vld [tilespmem:$0x17550]  }
0x182: {  	v0 =	vadd.f32 v1, v0;
	v1 =	vld [tilespmem:$0x17560]  }
0x183: {  	v6 =	vld [tilespmem:$0x17570]  }
0x184: {  	v0 =	vadd.f32 v2, v0;
	v2 =	vld [tilespmem:$0x17580]  }
0x185: {  	v7 =	vld [tilespmem:$0x17590]  }
0x186: {  	v0 =	vadd.f32 v3, v0;
	v3 =	vld [tilespmem:$0x175A0]  }
0x187: {  	v8 =	vld [tilespmem:$0x175B0]  }
0x188: {  	v0 =	vadd.f32 v4, v0;
	v4 =	vld [tilespmem:$0x175C0]  }
0x189: {  	v9 =	vld [tilespmem:$0x175D0]  }
0x18a: {  	v0 =	vadd.f32 v5, v0;
	v5 =	vld [tilespmem:$0x175E0]  }
0x18b: {  	v10 =	vld [tilespmem:$0x175F0]  }
0x18c: {  	v0 =	vadd.f32 v1, v0;
	v11 =	vld [tilespmem:$0x17600]  }
0x18d: {  	v12 =	vld [tilespmem:$0x17610]  }
0x18e: {  	v6 =	vadd.f32 v6, v0;
	v1 =	vld [tilespmem:$0x17620]  }
0x18f: {  	v0 =	vld [tilespmem:$0x17630]  }
0x190: {  	v2 =	vadd.f32 v2, v6;
	_ =	sdelay $0x1  }
0x191: {  	v2 =	vadd.f32 v7, v2;
	_ =	sdelay $0x1  }
0x192: {  	v2 =	vadd.f32 v3, v2;
	_ =	sdelay $0x1  }
0x193: {  	v2 =	vadd.f32 v8, v2;
	_ =	sdelay $0x1  }
0x194: {  	v2 =	vadd.f32 v4, v2;
	_ =	sdelay $0x1  }
0x195: {  	v2 =	vadd.f32 v9, v2;
	_ =	sdelay $0x1  }
0x196: {  	v2 =	vadd.f32 v5, v2;
	_ =	sdelay $0x1  }
.Ltmp0:
0x197: {  	v2 =	vadd.f32 v10, v2;
	(pc) =	sbr.rel @p0 .LBB2_2-.Ltmp0, $3  }
0x198: {  	_ = 	snop  }
0x199: {  	v2 =	vadd.f32 v11, v2;
	_ =	sdelay $0x1  }
0x19a: {  	v2 =	vadd.f32 v12, v2  }
0x19b: {  	_ = 	snop  }
0x19c: {  	v1 =	vadd.f32 v1, v2;
	_ =	sdelay $0x1  }
0x19d: {  	v0 =	vadd.f32 v0, v1;
	_ =	sdelay $0x1  }
0x19e: {  	s12 =	sadd.s32 $0x1, s12;
	v0 =	vmul.f32 $5.000000070e-02, v0  }
0x19f: {  	p0 =	sne.s32 s12, s6  }
.Ltmp1:
0x1a0: {  	[tilespmem:s14+$0x20] =	vst v0;
	(pc) =	sbr.rel @p0 .LBB2_1-.Ltmp1, $4  }
0x1a1: {  	[hbm4b:s5+s2] =	stream.linear.scatter [tilespmem:s11], [sflag:$0x2], $0xA000, $0x38;
	[tilespmem:$0x17640] =	vst v63  }
0x1a2: {  	_ =	swait.ge [sflag:s7], $0xA000  }
0x1a3: {  	[sflag:s7] =	ssyncset.done $0x0  }
0x1a4: {  	[sflag:s7] =	ssyncadd.s32 $0xFFFF6000  }
0x1a5: {  	_ =	sfence.sel $0x180000  }
0x1a6: {  	[bflag:$0x0] =	sbarrier.arrive $0xFFFF  }
0x1a7: {  	p0 =	sne.s32 s0, $0x0;
	_ =	strace $0x90000047  }
0x1a8: {  	s0 =	sadd.s32 @!p0 $0x100000, s1;
	[bflag:$0x2] =	sbarrier.arrive $0xFFFF  }
0x1a9: {  	[sflag:s0] =	ssyncadd.tile.s32 @!p0 $0x1;
	_ =	shalt  }
.Lfunc_end2:
_tile_overlayer_lowered:
.L_overlay_start_2:
0x1aa: {  	(tag) =	ssettag $0x2  }
0x1ab: {  	s0 =	rddreg [dreg:$0x0];
	s2 =	stileid.u32  }
0x1ac: {  	s1 =	rddreg [dreg:$0x1];
	p0 =	sne.s32 s2, $0x0  }
0x1ad: {  	s3 =	rddreg [dreg:$0x2];
	[bflag:$0x3] =	sbarrier.arrive $0xFFFF;
	s2 =	simm.s32 @!p0 $0x1C02  }
0x1ae: {  	[timem:s3], [sflag:s2] =	dma.local @!p0 [hbm:s0], s1  }
0x1af: {  	s0 =	simm.s32 @!p0 $0x2  }
0x1b0: {  	_ =	swait.ge @!p0 [sflag:s0], s1  }
0x1b1: {  	s1 =	ssub.s32 @!p0 $0x0, s1;
	[sflag:s0] =	ssyncset.done @!p0 $0x0  }
0x1b2: {  	[sflag:s0] =	ssyncadd.s32 @!p0 s1  }
0x1b3: {  	[bflag:$0x3] =	sbarrier.arrive $0xFFFF  }
0x1b4: {  	_ =	shalt  }

</sc_bundles>
